<compile_context>
chip_gen: v7x
topology: tpu7x:2x2x1
jax: 0.10.2.dev20260603
libtpu: 0.0.44.dev20260713+nightly
codegen_flags: <defaults>
</compile_context>

<pallas_src>
import functools

import jax
import jax.numpy as jnp
from jax import lax
from jax.experimental import pallas as pl
from jax.experimental.pallas import tpu as pltpu
from jax.experimental.pallas import tpu_sc as plsc

_N = 10000
_E = 320000
_D = 128

_NC = 2
_NS = 16
_NW = _NC * _NS
_CH = 128
_CPW = 80
_IPH = 2
_CPP = _CPW // _IPH
_EP = _NW * _CPW * _CH
_NP = 10112
_RPT = _NP // _NS

_sc_mesh = plsc.VectorSubcoreMesh(
    core_axis_name="c", subcore_axis_name="s", num_cores=_NC, num_subcores=_NS)


@functools.partial(
    pl.kernel,
    out_type=jax.ShapeDtypeStruct((_NC, _NP, _D), jnp.float32),
    mesh=_sc_mesh,
    scratch_types=[
        pltpu.VMEM((_CPW, _CH), jnp.int32),
        pltpu.VMEM((_CPP, _CH), jnp.int32),
        pltpu.VMEM((_CH, _D), jnp.float32),
        pltpu.VMEM((_CH, _D), jnp.float32),
        pltpu.VMEM_SHARED((_NP, _D), jnp.float32),
        pltpu.SemaphoreType.DMA,
        pltpu.SemaphoreType.DMA,
        pltpu.SemaphoreType.DMA,
    ],
)
def _sc_scatter(x_hbm, src_hbm, dst_hbm, out_hbm,
                srcs_v, dsts_v, rows0_v, rows1_v, acc_sh, sem0, sem1, semi):
    c = lax.axis_index("c")
    s = lax.axis_index("s")
    wid = s * _NC + c
    rbase = s * _RPT

    pltpu.async_copy(src_hbm.at[pl.ds(wid * _CPW, _CPW)], srcs_v, semi)
    pltpu.async_copy(dst_hbm.at[pl.ds(wid * _CPW, _CPP)], dsts_v, semi)

    zf = jnp.zeros((16,), jnp.float32)

    def zrow(i, carry):
        for j in range(_D // 16):
            rows1_v[i, pl.ds(j * 16, 16)] = zf
        return carry

    lax.fori_loop(0, _CH, zrow, 0)
    for k in range(_RPT // _CH):
        pltpu.sync_copy(rows1_v, acc_sh.at[pl.ds(rbase + k * _CH, _CH)])
    _zt = _RPT - (_RPT // _CH) * _CH
    pltpu.sync_copy(rows1_v.at[pl.ds(0, _zt)],
                    acc_sh.at[pl.ds(rbase + (_RPT // _CH) * _CH, _zt)])

    pltpu.make_async_copy(src_hbm.at[pl.ds(0, _CPW)], srcs_v, semi).wait()
    pltpu.make_async_copy(dst_hbm.at[pl.ds(0, _CPP)], dsts_v, semi).wait()

    bufs = (rows0_v, rows1_v)
    sems = (sem0, sem1)
    pltpu.async_copy(x_hbm.at[srcs_v.at[0]], rows0_v, sem0)
    pltpu.async_copy(x_hbm.at[srcs_v.at[1]], rows1_v, sem1)
    plsc.subcore_barrier()

    for ph in range(_IPH):
        if ph > 0:
            pltpu.sync_copy(dst_hbm.at[pl.ds(wid * _CPW + ph * _CPP, _CPP)],
                            dsts_v)

        def body(i, carry):
            for b in range(2):
                ch = 2 * i + b
                chg = ph * _CPP + ch
                buf, sem = bufs[b], sems[b]
                pltpu.make_async_copy(x_hbm.at[srcs_v.at[chg]], buf,
                                      sem).wait()
                pltpu.sync_copy(buf, acc_sh.at[dsts_v.at[ch]], add=True)

                @pl.when(chg + 2 < _CPW)
                def _():
                    pltpu.async_copy(x_hbm.at[srcs_v.at[chg + 2]], buf, sem)
            return carry

        lax.fori_loop(0, _CPP // 2, body, 0)

    plsc.subcore_barrier()
    pltpu.sync_copy(acc_sh.at[pl.ds(rbase, _RPT)],
                    out_hbm.at[c, pl.ds(rbase, _RPT)])


def _tc_layer(p, h, Wr, br2, Wo, do_relu):
    def body(p0_ref, p1_ref, h_ref, wr_ref, br_ref, wo_ref, o_ref):
        agg = p0_ref[0] + p1_ref[0]
        acc = jnp.dot(agg, wr_ref[...], preferred_element_type=jnp.float32)
        acc = acc + jnp.dot(h_ref[...], wo_ref[...],
                            preferred_element_type=jnp.float32)
        acc = acc + br_ref[...]
        o_ref[...] = jnp.maximum(acc, 0.0) if do_relu else acc

    blk = 2000
    grid = (_N // blk,)
    return pl.pallas_call(
        body,
        grid=grid,
        in_specs=[
            pl.BlockSpec((1, blk, _D), lambda i: (0, i, 0)),
            pl.BlockSpec((1, blk, _D), lambda i: (1, i, 0)),
            pl.BlockSpec((blk, _D), lambda i: (i, 0)),
            pl.BlockSpec((_D, _D), lambda i: (0, 0)),
            pl.BlockSpec((1, _D), lambda i: (0, 0)),
            pl.BlockSpec((_D, _D), lambda i: (0, 0)),
        ],
        out_specs=pl.BlockSpec((blk, _D), lambda i: (i, 0)),
        out_shape=jax.ShapeDtypeStruct((_N, _D), jnp.float32),
    )(p, p, h, Wr, br2, Wo)


def kernel(x, edge_index, W_rel0, b_rel0, W_root0, W_rel1, b_rel1, W_root1):
    src = edge_index[0]
    dst = edge_index[1]
    npad = _EP - _E
    ar = jnp.arange(npad, dtype=jnp.int32)
    pad_src = (ar * 37) % _N
    pad_dst = _N + ar % (_NP - _N)
    src2d = jnp.concatenate([src, pad_src]).reshape(-1, _CH)
    dst2d = jnp.concatenate([dst, pad_dst]).reshape(-1, _CH)

    p0 = _sc_scatter(x, src2d, dst2d)
    h = _tc_layer(p0, x, W_rel0, b_rel0.reshape(1, _D), W_root0, True)
    p1 = _sc_scatter(h, src2d, dst2d)
    return _tc_layer(p1, h, W_rel1, b_rel1.reshape(1, _D), W_root1, False)

# --- scband reference (transcript-rebuilt; emitter-appended) ---
"""Pipeline reference for scband-sage-17575006175344 (READ-ONLY COPY).

The authoritative reference and input builder live on the scoring server;
editing this copy changes nothing except your own understanding.
"""

import jax, jax.numpy as jnp
import numpy as np

N = 10000
E = 320000
D = 128
H = 128


def setup_inputs(seed: int = 0) -> dict:
    key = jax.random.key(seed)
    ks = jax.random.split(key, 9)
    x = jax.random.normal(ks[0], (N, D), dtype=jnp.float32)
    edge_index = jax.random.randint(ks[1], (2, E), 0, N, dtype=jnp.int32)
    s0 = 1.0 / np.sqrt(D)
    s1 = 1.0 / np.sqrt(H)
    W_rel0 = jax.random.normal(ks[2], (D, H), dtype=jnp.float32) * s0
    b_rel0 = jax.random.normal(ks[3], (H,), dtype=jnp.float32) * s0
    W_root0 = jax.random.normal(ks[4], (D, H), dtype=jnp.float32) * s0
    W_rel1 = jax.random.normal(ks[5], (H, H), dtype=jnp.float32) * s1
    b_rel1 = jax.random.normal(ks[6], (H,), dtype=jnp.float32) * s1
    W_root1 = jax.random.normal(ks[7], (H, H), dtype=jnp.float32) * s1
    return {
        "x": x,
        "edge_index": edge_index,
        "W_rel0": W_rel0,
        "b_rel0": b_rel0,
        "W_root0": W_root0,
        "W_rel1": W_rel1,
        "b_rel1": b_rel1,
        "W_root1": W_root1,
    }


def reference(x, edge_index, W_rel0, b_rel0, W_root0, W_rel1, b_rel1, W_root1):
    # SAGE.full_forward (eval mode: dropout is identity), two AnisoConv layers.
    # AnisoConv: out = lin_rel(scatter_add(x[src] -> dst)) + lin_root(x)
    src = edge_index[0]
    dst = edge_index[1]

    def conv(h, Wr, br, Wo):
        agg = jnp.zeros((h.shape[0], h.shape[1]), dtype=h.dtype).at[dst].add(h[src])
        return agg @ Wr + br + h @ Wo

    h = conv(x, W_rel0, b_rel0, W_root0)
    h = jax.nn.relu(h)
    out = conv(h, W_rel1, b_rel1, W_root1)
    return out

if __name__ == "__main__":
    import jax
    _d = setup_inputs()
    print(jax.jit(kernel)(*tuple(_d.values())))

</pallas_src>

<mosaic_0001>
#map = affine_map<(d0, d1) -> (0, 0)>
#map1 = affine_map<(d0, d1) -> (0, 0, 0)>
module attributes {stable_mosaic.version = 14 : i64} {
  func.func @_sc_scatter(%arg0: i32, %arg1: i32, %arg2: memref<10000x128xf32, #tpu.memory_space<hbm>>, %arg3: memref<2560x128xi32, #tpu.memory_space<hbm>>, %arg4: memref<2560x128xi32, #tpu.memory_space<hbm>>, %arg5: memref<2x10112x128xf32, #tpu.memory_space<hbm>>, %arg6: memref<80x128xi32, #tpu.memory_space<vmem>>, %arg7: memref<40x128xi32, #tpu.memory_space<vmem>>, %arg8: memref<128x128xf32, #tpu.memory_space<vmem>>, %arg9: memref<128x128xf32, #tpu.memory_space<vmem>>, %arg10: memref<10112x128xf32, #tpu.memory_space<vmem_shared>>, %arg11: memref<!tpu.dma_semaphore, #tpu.memory_space<semaphore_mem>>, %arg12: memref<!tpu.dma_semaphore, #tpu.memory_space<semaphore_mem>>, %arg13: memref<!tpu.dma_semaphore, #tpu.memory_space<semaphore_mem>>) attributes {dimension_semantics = [#tpu.dimension_semantics<core_parallel>, #tpu.dimension_semantics<subcore_parallel>], iteration_bounds = array<i64: 2, 16>, scalar_prefetch = 0 : i64, scratch_operands = 8 : i64, tpu.core_type = #tpu.core_type<sc_vector_subcore>, window_params = [{transform_indices = #map}, {transform_indices = #map}, {transform_indices = #map}, {transform_indices = #map1}]} {
    %mul3A = arith.constant 2 : i32
    %mul3A_0 = arith.muli %arg1, %mul3A : i32
    %add3A = arith.addi %mul3A_0, %arg0 : i32
    %mul3A_1 = arith.constant 632 : i32
    %mul3A_2 = arith.muli %arg1, %mul3A_1 : i32
    %mul3A_3 = arith.constant 80 : i32
    %mul3A_4 = arith.muli %add3A, %mul3A_3 : i32
    %dma_start3A = arith.constant 0 : i32
    %dma_start3A_5 = tpu.memref_slice %arg3[%mul3A_4, %dma_start3A] : memref<2560x128xi32, #tpu.memory_space<hbm>> -> memref<80x128xi32, #tpu.memory_space<hbm>>
    %dma_start3A_6 = arith.constant 0 : i32
    %dma_start3A_7 = tpu.memref_slice %arg3[%mul3A_4, %dma_start3A_6] : memref<2560x128xi32, #tpu.memory_space<hbm>> -> memref<80x128xi32, #tpu.memory_space<hbm>>
    tpu.enqueue_dma source(%dma_start3A_7 : memref<80x128xi32, #tpu.memory_space<hbm>>) target(%arg6 : memref<80x128xi32, #tpu.memory_space<vmem>>) target_semaphore(%arg13 : memref<!tpu.dma_semaphore, #tpu.memory_space<semaphore_mem>>)
    %mul3A_8 = arith.constant 80 : i32
    %mul3A_9 = arith.muli %add3A, %mul3A_8 : i32
    %dma_start3A_10 = arith.constant 0 : i32
    %dma_start3A_11 = tpu.memref_slice %arg4[%mul3A_9, %dma_start3A_10] : memref<2560x128xi32, #tpu.memory_space<hbm>> -> memref<40x128xi32, #tpu.memory_space<hbm>>
    %dma_start3A_12 = arith.constant 0 : i32
    %dma_start3A_13 = tpu.memref_slice %arg4[%mul3A_9, %dma_start3A_12] : memref<2560x128xi32, #tpu.memory_space<hbm>> -> memref<40x128xi32, #tpu.memory_space<hbm>>
    tpu.enqueue_dma source(%dma_start3A_13 : memref<40x128xi32, #tpu.memory_space<hbm>>) target(%arg7 : memref<40x128xi32, #tpu.memory_space<vmem>>) target_semaphore(%arg13 : memref<!tpu.dma_semaphore, #tpu.memory_space<semaphore_mem>>)
    %broadcast_in_dim3A = arith.constant 0.000000e+00 : f32
    %broadcast_in_dim3A_14 = vector.broadcast %broadcast_in_dim3A : f32 to vector<16xf32>
    %scan3A = arith.constant 0 : i32
    %scan3A_15 = arith.constant 0 : i32
    %scan3A_16 = arith.constant 128 : i32
    %scan3A_17 = arith.addi %scan3A_15, %scan3A_16 : i32
    %scan3A_18 = arith.constant 1 : i32
    scf.for %scan3A_72 = %scan3A_15 to %scan3A_17 step %scan3A_18  : i32 {
      %swap3A = arith.index_cast %scan3A_72 : i32 to index
      %swap3A_73 = arith.constant 0 : index
      %swap3A_74 = tpu.vector_load %arg9[%swap3A, %swap3A_73] {strides = array<i32>} : memref<128x128xf32, #tpu.memory_space<vmem>>, vector<1x16xf32>,
      %swap3A_75 = vector.shape_cast %swap3A_74 : vector<1x16xf32> to vector<16xf32>
      %swap3A_76 = vector.shape_cast %broadcast_in_dim3A_14 : vector<16xf32> to vector<1x16xf32>
      tpu.vector_store %arg9[%swap3A, %swap3A_73], %swap3A_76 {strides = array<i32>} : memref<128x128xf32, #tpu.memory_space<vmem>>, vector<1x16xf32>,
      %swap3A_77 = arith.index_cast %scan3A_72 : i32 to index
      %swap3A_78 = arith.constant 16 : index
      %swap3A_79 = tpu.vector_load %arg9[%swap3A_77, %swap3A_78] {strides = array<i32>} : memref<128x128xf32, #tpu.memory_space<vmem>>, vector<1x16xf32>,
      %swap3A_80 = vector.shape_cast %swap3A_79 : vector<1x16xf32> to vector<16xf32>
      %swap3A_81 = vector.shape_cast %broadcast_in_dim3A_14 : vector<16xf32> to vector<1x16xf32>
      tpu.vector_store %arg9[%swap3A_77, %swap3A_78], %swap3A_81 {strides = array<i32>} : memref<128x128xf32, #tpu.memory_space<vmem>>, vector<1x16xf32>,
      %swap3A_82 = arith.index_cast %scan3A_72 : i32 to index
      %swap3A_83 = arith.constant 32 : index
      %swap3A_84 = tpu.vector_load %arg9[%swap3A_82, %swap3A_83] {strides = array<i32>} : memref<128x128xf32, #tpu.memory_space<vmem>>, vector<1x16xf32>,
      %swap3A_85 = vector.shape_cast %swap3A_84 : vector<1x16xf32> to vector<16xf32>
      %swap3A_86 = vector.shape_cast %broadcast_in_dim3A_14 : vector<16xf32> to vector<1x16xf32>
      tpu.vector_store %arg9[%swap3A_82, %swap3A_83], %swap3A_86 {strides = array<i32>} : memref<128x128xf32, #tpu.memory_space<vmem>>, vector<1x16xf32>,
      %swap3A_87 = arith.index_cast %scan3A_72 : i32 to index
      %swap3A_88 = arith.constant 48 : index
      %swap3A_89 = tpu.vector_load %arg9[%swap3A_87, %swap3A_88] {strides = array<i32>} : memref<128x128xf32, #tpu.memory_space<vmem>>, vector<1x16xf32>,
      %swap3A_90 = vector.shape_cast %swap3A_89 : vector<1x16xf32> to vector<16xf32>
      %swap3A_91 = vector.shape_cast %broadcast_in_dim3A_14 : vector<16xf32> to vector<1x16xf32>
      tpu.vector_store %arg9[%swap3A_87, %swap3A_88], %swap3A_91 {strides = array<i32>} : memref<128x128xf32, #tpu.memory_space<vmem>>, vector<1x16xf32>,
      %swap3A_92 = arith.index_cast %scan3A_72 : i32 to index
      %swap3A_93 = arith.constant 64 : index
      %swap3A_94 = tpu.vector_load %arg9[%swap3A_92, %swap3A_93] {strides = array<i32>} : memref<128x128xf32, #tpu.memory_space<vmem>>, vector<1x16xf32>,
      %swap3A_95 = vector.shape_cast %swap3A_94 : vector<1x16xf32> to vector<16xf32>
      %swap3A_96 = vector.shape_cast %broadcast_in_dim3A_14 : vector<16xf32> to vector<1x16xf32>
      tpu.vector_store %arg9[%swap3A_92, %swap3A_93], %swap3A_96 {strides = array<i32>} : memref<128x128xf32, #tpu.memory_space<vmem>>, vector<1x16xf32>,
      %swap3A_97 = arith.index_cast %scan3A_72 : i32 to index
      %swap3A_98 = arith.constant 80 : index
      %swap3A_99 = tpu.vector_load %arg9[%swap3A_97, %swap3A_98] {strides = array<i32>} : memref<128x128xf32, #tpu.memory_space<vmem>>, vector<1x16xf32>,
      %swap3A_100 = vector.shape_cast %swap3A_99 : vector<1x16xf32> to vector<16xf32>
      %swap3A_101 = vector.shape_cast %broadcast_in_dim3A_14 : vector<16xf32> to vector<1x16xf32>
      tpu.vector_store %arg9[%swap3A_97, %swap3A_98], %swap3A_101 {strides = array<i32>} : memref<128x128xf32, #tpu.memory_space<vmem>>, vector<1x16xf32>,
      %swap3A_102 = arith.index_cast %scan3A_72 : i32 to index
      %swap3A_103 = arith.constant 96 : index
      %swap3A_104 = tpu.vector_load %arg9[%swap3A_102, %swap3A_103] {strides = array<i32>} : memref<128x128xf32, #tpu.memory_space<vmem>>, vector<1x16xf32>,
      %swap3A_105 = vector.shape_cast %swap3A_104 : vector<1x16xf32> to vector<16xf32>
      %swap3A_106 = vector.shape_cast %broadcast_in_dim3A_14 : vector<16xf32> to vector<1x16xf32>
      tpu.vector_store %arg9[%swap3A_102, %swap3A_103], %swap3A_106 {strides = array<i32>} : memref<128x128xf32, #tpu.memory_space<vmem>>, vector<1x16xf32>,
      %swap3A_107 = arith.index_cast %scan3A_72 : i32 to index
      %swap3A_108 = arith.constant 112 : index
      %swap3A_109 = tpu.vector_load %arg9[%swap3A_107, %swap3A_108] {strides = array<i32>} : memref<128x128xf32, #tpu.memory_space<vmem>>, vector<1x16xf32>,
      %swap3A_110 = vector.shape_cast %swap3A_109 : vector<1x16xf32> to vector<16xf32>
      %swap3A_111 = vector.shape_cast %broadcast_in_dim3A_14 : vector<16xf32> to vector<1x16xf32>
      tpu.vector_store %arg9[%swap3A_107, %swap3A_108], %swap3A_111 {strides = array<i32>} : memref<128x128xf32, #tpu.memory_space<vmem>>, vector<1x16xf32>,
    }
    %scan3A_19 = arith.constant 128 : i32
    %add3A_20 = arith.constant 0 : i32
    %add3A_21 = arith.addi %mul3A_2, %add3A_20 : i32
    "tpu.region"() ({
      %run_scoped3A = tpu.sem_alloc : memref<!tpu.dma_semaphore, #tpu.memory_space<semaphore_mem>>
      %dma_start3A_72 = arith.constant 0 : i32
      %dma_start3A_73 = tpu.memref_slice %arg10[%add3A_21, %dma_start3A_72] : memref<10112x128xf32, #tpu.memory_space<vmem_shared>> -> memref<128x128xf32, #tpu.memory_space<vmem_shared>>
      %dma_start3A_74 = arith.constant 0 : i32
      %dma_start3A_75 = tpu.memref_slice %arg10[%add3A_21, %dma_start3A_74] : memref<10112x128xf32, #tpu.memory_space<vmem_shared>> -> memref<128x128xf32, #tpu.memory_space<vmem_shared>>
      tpu.enqueue_dma source(%arg9 : memref<128x128xf32, #tpu.memory_space<vmem>>) target(%dma_start3A_75 : memref<128x128xf32, #tpu.memory_space<vmem_shared>>) target_semaphore(%run_scoped3A : memref<!tpu.dma_semaphore, #tpu.memory_space<semaphore_mem>>)
      %dma_wait3A_76 = arith.constant 0 : i32
      %dma_wait3A_77 = tpu.memref_slice %arg10[%add3A_21, %dma_wait3A_76] : memref<10112x128xf32, #tpu.memory_space<vmem_shared>> -> memref<128x128xf32, #tpu.memory_space<vmem_shared>>
      %dma_wait3A_78 = arith.constant 0 : i32
      %dma_wait3A_79 = tpu.memref_slice %arg10[%add3A_21, %dma_wait3A_78] : memref<10112x128xf32, #tpu.memory_space<vmem_shared>> -> memref<128x128xf32, #tpu.memory_space<vmem_shared>>
      tpu.wait_dma2 semaphore(%run_scoped3A : memref<!tpu.dma_semaphore, #tpu.memory_space<semaphore_mem>>) src(%arg9 : memref<128x128xf32, #tpu.memory_space<vmem>>) dst(%dma_wait3A_79 : memref<128x128xf32, #tpu.memory_space<vmem_shared>>)
      tpu.yield
    }) : () -> ()
    %add3A_22 = arith.constant 128 : i32
    %add3A_23 = arith.addi %mul3A_2, %add3A_22 : i32
    "tpu.region"() ({
      %run_scoped3A = tpu.sem_alloc : memref<!tpu.dma_semaphore, #tpu.memory_space<semaphore_mem>>
      %dma_start3A_72 = arith.constant 0 : i32
      %dma_start3A_73 = tpu.memref_slice %arg10[%add3A_23, %dma_start3A_72] : memref<10112x128xf32, #tpu.memory_space<vmem_shared>> -> memref<128x128xf32, #tpu.memory_space<vmem_shared>>
      %dma_start3A_74 = arith.constant 0 : i32
      %dma_start3A_75 = tpu.memref_slice %arg10[%add3A_23, %dma_start3A_74] : memref<10112x128xf32, #tpu.memory_space<vmem_shared>> -> memref<128x128xf32, #tpu.memory_space<vmem_shared>>
      tpu.enqueue_dma source(%arg9 : memref<128x128xf32, #tpu.memory_space<vmem>>) target(%dma_start3A_75 : memref<128x128xf32, #tpu.memory_space<vmem_shared>>) target_semaphore(%run_scoped3A : memref<!tpu.dma_semaphore, #tpu.memory_space<semaphore_mem>>)
      %dma_wait3A_76 = arith.constant 0 : i32
      %dma_wait3A_77 = tpu.memref_slice %arg10[%add3A_23, %dma_wait3A_76] : memref<10112x128xf32, #tpu.memory_space<vmem_shared>> -> memref<128x128xf32, #tpu.memory_space<vmem_shared>>
      %dma_wait3A_78 = arith.constant 0 : i32
      %dma_wait3A_79 = tpu.memref_slice %arg10[%add3A_23, %dma_wait3A_78] : memref<10112x128xf32, #tpu.memory_space<vmem_shared>> -> memref<128x128xf32, #tpu.memory_space<vmem_shared>>
      tpu.wait_dma2 semaphore(%run_scoped3A : memref<!tpu.dma_semaphore, #tpu.memory_space<semaphore_mem>>) src(%arg9 : memref<128x128xf32, #tpu.memory_space<vmem>>) dst(%dma_wait3A_79 : memref<128x128xf32, #tpu.memory_space<vmem_shared>>)
      tpu.yield
    }) : () -> ()
    %add3A_24 = arith.constant 256 : i32
    %add3A_25 = arith.addi %mul3A_2, %add3A_24 : i32
    "tpu.region"() ({
      %run_scoped3A = tpu.sem_alloc : memref<!tpu.dma_semaphore, #tpu.memory_space<semaphore_mem>>
      %dma_start3A_72 = arith.constant 0 : i32
      %dma_start3A_73 = tpu.memref_slice %arg10[%add3A_25, %dma_start3A_72] : memref<10112x128xf32, #tpu.memory_space<vmem_shared>> -> memref<128x128xf32, #tpu.memory_space<vmem_shared>>
      %dma_start3A_74 = arith.constant 0 : i32
      %dma_start3A_75 = tpu.memref_slice %arg10[%add3A_25, %dma_start3A_74] : memref<10112x128xf32, #tpu.memory_space<vmem_shared>> -> memref<128x128xf32, #tpu.memory_space<vmem_shared>>
      tpu.enqueue_dma source(%arg9 : memref<128x128xf32, #tpu.memory_space<vmem>>) target(%dma_start3A_75 : memref<128x128xf32, #tpu.memory_space<vmem_shared>>) target_semaphore(%run_scoped3A : memref<!tpu.dma_semaphore, #tpu.memory_space<semaphore_mem>>)
      %dma_wait3A_76 = arith.constant 0 : i32
      %dma_wait3A_77 = tpu.memref_slice %arg10[%add3A_25, %dma_wait3A_76] : memref<10112x128xf32, #tpu.memory_space<vmem_shared>> -> memref<128x128xf32, #tpu.memory_space<vmem_shared>>
      %dma_wait3A_78 = arith.constant 0 : i32
      %dma_wait3A_79 = tpu.memref_slice %arg10[%add3A_25, %dma_wait3A_78] : memref<10112x128xf32, #tpu.memory_space<vmem_shared>> -> memref<128x128xf32, #tpu.memory_space<vmem_shared>>
      tpu.wait_dma2 semaphore(%run_scoped3A : memref<!tpu.dma_semaphore, #tpu.memory_space<semaphore_mem>>) src(%arg9 : memref<128x128xf32, #tpu.memory_space<vmem>>) dst(%dma_wait3A_79 : memref<128x128xf32, #tpu.memory_space<vmem_shared>>)
      tpu.yield
    }) : () -> ()
    %add3A_26 = arith.constant 384 : i32
    %add3A_27 = arith.addi %mul3A_2, %add3A_26 : i32
    "tpu.region"() ({
      %run_scoped3A = tpu.sem_alloc : memref<!tpu.dma_semaphore, #tpu.memory_space<semaphore_mem>>
      %dma_start3A_72 = arith.constant 0 : i32
      %dma_start3A_73 = tpu.memref_slice %arg10[%add3A_27, %dma_start3A_72] : memref<10112x128xf32, #tpu.memory_space<vmem_shared>> -> memref<128x128xf32, #tpu.memory_space<vmem_shared>>
      %dma_start3A_74 = arith.constant 0 : i32
      %dma_start3A_75 = tpu.memref_slice %arg10[%add3A_27, %dma_start3A_74] : memref<10112x128xf32, #tpu.memory_space<vmem_shared>> -> memref<128x128xf32, #tpu.memory_space<vmem_shared>>
      tpu.enqueue_dma source(%arg9 : memref<128x128xf32, #tpu.memory_space<vmem>>) target(%dma_start3A_75 : memref<128x128xf32, #tpu.memory_space<vmem_shared>>) target_semaphore(%run_scoped3A : memref<!tpu.dma_semaphore, #tpu.memory_space<semaphore_mem>>)
      %dma_wait3A_76 = arith.constant 0 : i32
      %dma_wait3A_77 = tpu.memref_slice %arg10[%add3A_27, %dma_wait3A_76] : memref<10112x128xf32, #tpu.memory_space<vmem_shared>> -> memref<128x128xf32, #tpu.memory_space<vmem_shared>>
      %dma_wait3A_78 = arith.constant 0 : i32
      %dma_wait3A_79 = tpu.memref_slice %arg10[%add3A_27, %dma_wait3A_78] : memref<10112x128xf32, #tpu.memory_space<vmem_shared>> -> memref<128x128xf32, #tpu.memory_space<vmem_shared>>
      tpu.wait_dma2 semaphore(%run_scoped3A : memref<!tpu.dma_semaphore, #tpu.memory_space<semaphore_mem>>) src(%arg9 : memref<128x128xf32, #tpu.memory_space<vmem>>) dst(%dma_wait3A_79 : memref<128x128xf32, #tpu.memory_space<vmem_shared>>)
      tpu.yield
    }) : () -> ()
    %add3A_28 = arith.constant 512 : i32
    %add3A_29 = arith.addi %mul3A_2, %add3A_28 : i32
    "tpu.region"() ({
      %run_scoped3A = tpu.sem_alloc : memref<!tpu.dma_semaphore, #tpu.memory_space<semaphore_mem>>
      %dma_start3A_72 = arith.constant 0 : i32
      %dma_start3A_73 = arith.constant 0 : i32
      %dma_start3A_74 = tpu.memref_slice %arg9[%dma_start3A_72, %dma_start3A_73] : memref<128x128xf32, #tpu.memory_space<vmem>> -> memref<120x128xf32, #tpu.memory_space<vmem>>
      %dma_start3A_75 = arith.constant 0 : i32
      %dma_start3A_76 = tpu.memref_slice %arg10[%add3A_29, %dma_start3A_75] : memref<10112x128xf32, #tpu.memory_space<vmem_shared>> -> memref<120x128xf32, #tpu.memory_space<vmem_shared>>
      %dma_start3A_77 = arith.constant 0 : i32
      %dma_start3A_78 = tpu.memref_slice %arg10[%add3A_29, %dma_start3A_77] : memref<10112x128xf32, #tpu.memory_space<vmem_shared>> -> memref<120x128xf32, #tpu.memory_space<vmem_shared>>
      %dma_start3A_79 = arith.constant 0 : i32
      %dma_start3A_80 = arith.constant 0 : i32
      %dma_start3A_81 = tpu.memref_slice %arg9[%dma_start3A_79, %dma_start3A_80] : memref<128x128xf32, #tpu.memory_space<vmem>> -> memref<120x128xf32, #tpu.memory_space<vmem>>
      tpu.enqueue_dma source(%dma_start3A_81 : memref<120x128xf32, #tpu.memory_space<vmem>>) target(%dma_start3A_78 : memref<120x128xf32, #tpu.memory_space<vmem_shared>>) target_semaphore(%run_scoped3A : memref<!tpu.dma_semaphore, #tpu.memory_space<semaphore_mem>>)
      %dma_wait3A_82 = arith.constant 0 : i32
      %dma_wait3A_83 = arith.constant 0 : i32
      %dma_wait3A_84 = tpu.memref_slice %arg9[%dma_wait3A_82, %dma_wait3A_83] : memref<128x128xf32, #tpu.memory_space<vmem>> -> memref<120x128xf32, #tpu.memory_space<vmem>>
      %dma_wait3A_85 = arith.constant 0 : i32
      %dma_wait3A_86 = tpu.memref_slice %arg10[%add3A_29, %dma_wait3A_85] : memref<10112x128xf32, #tpu.memory_space<vmem_shared>> -> memref<120x128xf32, #tpu.memory_space<vmem_shared>>
      %dma_wait3A_87 = arith.constant 0 : i32
      %dma_wait3A_88 = tpu.memref_slice %arg10[%add3A_29, %dma_wait3A_87] : memref<10112x128xf32, #tpu.memory_space<vmem_shared>> -> memref<120x128xf32, #tpu.memory_space<vmem_shared>>
      %dma_wait3A_89 = arith.constant 0 : i32
      %dma_wait3A_90 = arith.constant 0 : i32
      %dma_wait3A_91 = tpu.memref_slice %arg9[%dma_wait3A_89, %dma_wait3A_90] : memref<128x128xf32, #tpu.memory_space<vmem>> -> memref<120x128xf32, #tpu.memory_space<vmem>>
      tpu.wait_dma2 semaphore(%run_scoped3A : memref<!tpu.dma_semaphore, #tpu.memory_space<semaphore_mem>>) src(%dma_wait3A_91 : memref<120x128xf32, #tpu.memory_space<vmem>>) dst(%dma_wait3A_88 : memref<120x128xf32, #tpu.memory_space<vmem_shared>>)
      tpu.yield
    }) : () -> ()
    %dma_wait3A = arith.constant 0 : i32
    %dma_wait3A_30 = arith.constant 0 : i32
    %dma_wait3A_31 = tpu.memref_slice %arg3[%dma_wait3A, %dma_wait3A_30] : memref<2560x128xi32, #tpu.memory_space<hbm>> -> memref<80x128xi32, #tpu.memory_space<hbm>>
    %dma_wait3A_32 = arith.constant 0 : i32
    %dma_wait3A_33 = arith.constant 0 : i32
    %dma_wait3A_34 = tpu.memref_slice %arg3[%dma_wait3A_32, %dma_wait3A_33] : memref<2560x128xi32, #tpu.memory_space<hbm>> -> memref<80x128xi32, #tpu.memory_space<hbm>>
    tpu.wait_dma2 semaphore(%arg13 : memref<!tpu.dma_semaphore, #tpu.memory_space<semaphore_mem>>) src(%dma_wait3A_34 : memref<80x128xi32, #tpu.memory_space<hbm>>) dst(%arg6 : memref<80x128xi32, #tpu.memory_space<vmem>>)
    %dma_wait3A_35 = arith.constant 0 : i32
    %dma_wait3A_36 = arith.constant 0 : i32
    %dma_wait3A_37 = tpu.memref_slice %arg4[%dma_wait3A_35, %dma_wait3A_36] : memref<2560x128xi32, #tpu.memory_space<hbm>> -> memref<40x128xi32, #tpu.memory_space<hbm>>
    %dma_wait3A_38 = arith.constant 0 : i32
    %dma_wait3A_39 = arith.constant 0 : i32
    %dma_wait3A_40 = tpu.memref_slice %arg4[%dma_wait3A_38, %dma_wait3A_39] : memref<2560x128xi32, #tpu.memory_space<hbm>> -> memref<40x128xi32, #tpu.memory_space<hbm>>
    tpu.wait_dma2 semaphore(%arg13 : memref<!tpu.dma_semaphore, #tpu.memory_space<semaphore_mem>>) src(%dma_wait3A_40 : memref<40x128xi32, #tpu.memory_space<hbm>>) dst(%arg7 : memref<40x128xi32, #tpu.memory_space<vmem>>)
    %dma_start3A_41 = arith.constant 0 : i32
    %dma_start3A_42 = arith.constant 0 : i32
    %dma_start3A_43 = tpu.memref_slice %arg6[%dma_start3A_41, %dma_start3A_42] : memref<80x128xi32, #tpu.memory_space<vmem>> -> memref<1x128xi32, #tpu.memory_space<vmem>>
    %dma_start3A_44 = tpu.memref_squeeze %dma_start3A_43 : memref<1x128xi32, #tpu.memory_space<vmem>> -> memref<128xi32, #tpu.memory_space<vmem>>
    %dma_start3A_45 = arith.constant 0 : i32
    %dma_start3A_46 = arith.constant 0 : i32
    %dma_start3A_47 = tpu.memref_slice %arg2[%dma_start3A_45, %dma_start3A_46] : memref<10000x128xf32, #tpu.memory_space<hbm>> -> memref<10000x128xf32, #tpu.memory_space<hbm>>
    tpu.enqueue_indirect_dma source(%dma_start3A_47 : memref<10000x128xf32, #tpu.memory_space<hbm>>) target(%arg8 : memref<128x128xf32, #tpu.memory_space<vmem>>) offsets(%dma_start3A_44 : memref<128xi32, #tpu.memory_space<vmem>>) semaphore(%arg11 : memref<!tpu.dma_semaphore, #tpu.memory_space<semaphore_mem>>)
    %dma_start3A_48 = arith.constant 1 : i32
    %dma_start3A_49 = arith.constant 0 : i32
    %dma_start3A_50 = tpu.memref_slice %arg6[%dma_start3A_48, %dma_start3A_49] : memref<80x128xi32, #tpu.memory_space<vmem>> -> memref<1x128xi32, #tpu.memory_space<vmem>>
    %dma_start3A_51 = tpu.memref_squeeze %dma_start3A_50 : memref<1x128xi32, #tpu.memory_space<vmem>> -> memref<128xi32, #tpu.memory_space<vmem>>
    %dma_start3A_52 = arith.constant 0 : i32
    %dma_start3A_53 = arith.constant 0 : i32
    %dma_start3A_54 = tpu.memref_slice %arg2[%dma_start3A_52, %dma_start3A_53] : memref<10000x128xf32, #tpu.memory_space<hbm>> -> memref<10000x128xf32, #tpu.memory_space<hbm>>
    tpu.enqueue_indirect_dma source(%dma_start3A_54 : memref<10000x128xf32, #tpu.memory_space<hbm>>) target(%arg9 : memref<128x128xf32, #tpu.memory_space<vmem>>) offsets(%dma_start3A_51 : memref<128xi32, #tpu.memory_space<vmem>>) semaphore(%arg12 : memref<!tpu.dma_semaphore, #tpu.memory_space<semaphore_mem>>)
    %barrier3A = arith.constant 0 : index
    tpu.barrier barrier_id(%barrier3A)
    %scan3A_55 = arith.constant 0 : i32
    %scan3A_56 = arith.constant 0 : i32
    %scan3A_57 = arith.constant 20 : i32
    %scan3A_58 = arith.addi %scan3A_56, %scan3A_57 : i32
    %scan3A_59 = arith.constant 1 : i32
    scf.for %scan3A_72 = %scan3A_56 to %scan3A_58 step %scan3A_59  : i32 {
      %mul3A_73 = arith.constant 2 : i32
      %mul3A_74 = arith.muli %mul3A_73, %scan3A_72 : i32
      %add3A_75 = arith.constant 0 : i32
      %add3A_76 = arith.addi %mul3A_74, %add3A_75 : i32
      %add3A_77 = arith.constant 0 : i32
      %add3A_78 = arith.addi %add3A_77, %add3A_76 : i32
      %dma_wait3A_79 = arith.constant 0 : i32
      %dma_wait3A_80 = tpu.memref_slice %arg6[%add3A_78, %dma_wait3A_79] : memref<80x128xi32, #tpu.memory_space<vmem>> -> memref<1x128xi32, #tpu.memory_space<vmem>>
      %dma_wait3A_81 = tpu.memref_squeeze %dma_wait3A_80 : memref<1x128xi32, #tpu.memory_space<vmem>> -> memref<128xi32, #tpu.memory_space<vmem>>
      %dma_wait3A_82 = arith.constant 0 : i32
      %dma_wait3A_83 = arith.constant 0 : i32
      %dma_wait3A_84 = tpu.memref_slice %arg2[%dma_wait3A_82, %dma_wait3A_83] : memref<10000x128xf32, #tpu.memory_space<hbm>> -> memref<10000x128xf32, #tpu.memory_space<hbm>>
      tpu.wait_indirect_dma semaphore(%arg11 : memref<!tpu.dma_semaphore, #tpu.memory_space<semaphore_mem>>) src(%dma_wait3A_84 : memref<10000x128xf32, #tpu.memory_space<hbm>>) dst(%arg8 : memref<128x128xf32, #tpu.memory_space<vmem>>)
      "tpu.region"() ({
        %run_scoped3A = tpu.sem_alloc : memref<!tpu.dma_semaphore, #tpu.memory_space<semaphore_mem>>
        %dma_start3A_108 = arith.constant 0 : i32
        %dma_start3A_109 = tpu.memref_slice %arg7[%add3A_76, %dma_start3A_108] : memref<40x128xi32, #tpu.memory_space<vmem>> -> memref<1x128xi32, #tpu.memory_space<vmem>>
        %dma_start3A_110 = tpu.memref_squeeze %dma_start3A_109 : memref<1x128xi32, #tpu.memory_space<vmem>> -> memref<128xi32, #tpu.memory_space<vmem>>
        %dma_start3A_111 = arith.constant 0 : i32
        %dma_start3A_112 = arith.constant 0 : i32
        %dma_start3A_113 = tpu.memref_slice %arg10[%dma_start3A_111, %dma_start3A_112] : memref<10112x128xf32, #tpu.memory_space<vmem_shared>> -> memref<10112x128xf32, #tpu.memory_space<vmem_shared>>
        tpu.enqueue_indirect_dma source(%arg8 : memref<128x128xf32, #tpu.memory_space<vmem>>) target(%dma_start3A_113 : memref<10112x128xf32, #tpu.memory_space<vmem_shared>>) offsets(%dma_start3A_110 : memref<128xi32, #tpu.memory_space<vmem>>) semaphore(%run_scoped3A : memref<!tpu.dma_semaphore, #tpu.memory_space<semaphore_mem>>) {add = true}
        %dma_wait3A_114 = arith.constant 0 : i32
        %dma_wait3A_115 = tpu.memref_slice %arg7[%add3A_76, %dma_wait3A_114] : memref<40x128xi32, #tpu.memory_space<vmem>> -> memref<1x128xi32, #tpu.memory_space<vmem>>
        %dma_wait3A_116 = tpu.memref_squeeze %dma_wait3A_115 : memref<1x128xi32, #tpu.memory_space<vmem>> -> memref<128xi32, #tpu.memory_space<vmem>>
        %dma_wait3A_117 = arith.constant 0 : i32
        %dma_wait3A_118 = arith.constant 0 : i32
        %dma_wait3A_119 = tpu.memref_slice %arg10[%dma_wait3A_117, %dma_wait3A_118] : memref<10112x128xf32, #tpu.memory_space<vmem_shared>> -> memref<10112x128xf32, #tpu.memory_space<vmem_shared>>
        tpu.wait_indirect_dma semaphore(%run_scoped3A : memref<!tpu.dma_semaphore, #tpu.memory_space<semaphore_mem>>) src(%arg8 : memref<128x128xf32, #tpu.memory_space<vmem>>) dst(%dma_wait3A_119 : memref<10112x128xf32, #tpu.memory_space<vmem_shared>>)
        tpu.yield
      }) : () -> ()
      %add3A_85 = arith.constant 2 : i32
      %add3A_86 = arith.addi %add3A_78, %add3A_85 : i32
      %lt3A = arith.constant 80 : i32
      %lt3A_87 = arith.cmpi slt, %add3A_86, %lt3A : i32
      %convert_element_type3A = arith.extui %lt3A_87 : i1 to i32
      %cond3A = arith.constant 0 : i32
      %cond3A_88 = arith.cmpi ne, %convert_element_type3A, %cond3A : i32
      scf.if %cond3A_88 {
        %add3A_108 = arith.constant 2 : i32
        %add3A_109 = arith.addi %add3A_78, %add3A_108 : i32
        %dma_start3A_110 = arith.constant 0 : i32
        %dma_start3A_111 = tpu.memref_slice %arg6[%add3A_109, %dma_start3A_110] : memref<80x128xi32, #tpu.memory_space<vmem>> -> memref<1x128xi32, #tpu.memory_space<vmem>>
        %dma_start3A_112 = tpu.memref_squeeze %dma_start3A_111 : memref<1x128xi32, #tpu.memory_space<vmem>> -> memref<128xi32, #tpu.memory_space<vmem>>
        %dma_start3A_113 = arith.constant 0 : i32
        %dma_start3A_114 = arith.constant 0 : i32
        %dma_start3A_115 = tpu.memref_slice %arg2[%dma_start3A_113, %dma_start3A_114] : memref<10000x128xf32, #tpu.memory_space<hbm>> -> memref<10000x128xf32, #tpu.memory_space<hbm>>
        tpu.enqueue_indirect_dma source(%dma_start3A_115 : memref<10000x128xf32, #tpu.memory_space<hbm>>) target(%arg8 : memref<128x128xf32, #tpu.memory_space<vmem>>) offsets(%dma_start3A_112 : memref<128xi32, #tpu.memory_space<vmem>>) semaphore(%arg11 : memref<!tpu.dma_semaphore, #tpu.memory_space<semaphore_mem>>)
      } else {
      }
      %mul3A_89 = arith.constant 2 : i32
      %mul3A_90 = arith.muli %mul3A_89, %scan3A_72 : i32
      %add3A_91 = arith.constant 1 : i32
      %add3A_92 = arith.addi %mul3A_90, %add3A_91 : i32
      %add3A_93 = arith.constant 0 : i32
      %add3A_94 = arith.addi %add3A_93, %add3A_92 : i32
      %dma_wait3A_95 = arith.constant 0 : i32
      %dma_wait3A_96 = tpu.memref_slice %arg6[%add3A_94, %dma_wait3A_95] : memref<80x128xi32, #tpu.memory_space<vmem>> -> memref<1x128xi32, #tpu.memory_space<vmem>>
      %dma_wait3A_97 = tpu.memref_squeeze %dma_wait3A_96 : memref<1x128xi32, #tpu.memory_space<vmem>> -> memref<128xi32, #tpu.memory_space<vmem>>
      %dma_wait3A_98 = arith.constant 0 : i32
      %dma_wait3A_99 = arith.constant 0 : i32
      %dma_wait3A_100 = tpu.memref_slice %arg2[%dma_wait3A_98, %dma_wait3A_99] : memref<10000x128xf32, #tpu.memory_space<hbm>> -> memref<10000x128xf32, #tpu.memory_space<hbm>>
      tpu.wait_indirect_dma semaphore(%arg12 : memref<!tpu.dma_semaphore, #tpu.memory_space<semaphore_mem>>) src(%dma_wait3A_100 : memref<10000x128xf32, #tpu.memory_space<hbm>>) dst(%arg9 : memref<128x128xf32, #tpu.memory_space<vmem>>)
      "tpu.region"() ({
        %run_scoped3A = tpu.sem_alloc : memref<!tpu.dma_semaphore, #tpu.memory_space<semaphore_mem>>
        %dma_start3A_108 = arith.constant 0 : i32
        %dma_start3A_109 = tpu.memref_slice %arg7[%add3A_92, %dma_start3A_108] : memref<40x128xi32, #tpu.memory_space<vmem>> -> memref<1x128xi32, #tpu.memory_space<vmem>>
        %dma_start3A_110 = tpu.memref_squeeze %dma_start3A_109 : memref<1x128xi32, #tpu.memory_space<vmem>> -> memref<128xi32, #tpu.memory_space<vmem>>
        %dma_start3A_111 = arith.constant 0 : i32
        %dma_start3A_112 = arith.constant 0 : i32
        %dma_start3A_113 = tpu.memref_slice %arg10[%dma_start3A_111, %dma_start3A_112] : memref<10112x128xf32, #tpu.memory_space<vmem_shared>> -> memref<10112x128xf32, #tpu.memory_space<vmem_shared>>
        tpu.enqueue_indirect_dma source(%arg9 : memref<128x128xf32, #tpu.memory_space<vmem>>) target(%dma_start3A_113 : memref<10112x128xf32, #tpu.memory_space<vmem_shared>>) offsets(%dma_start3A_110 : memref<128xi32, #tpu.memory_space<vmem>>) semaphore(%run_scoped3A : memref<!tpu.dma_semaphore, #tpu.memory_space<semaphore_mem>>) {add = true}
        %dma_wait3A_114 = arith.constant 0 : i32
        %dma_wait3A_115 = tpu.memref_slice %arg7[%add3A_92, %dma_wait3A_114] : memref<40x128xi32, #tpu.memory_space<vmem>> -> memref<1x128xi32, #tpu.memory_space<vmem>>
        %dma_wait3A_116 = tpu.memref_squeeze %dma_wait3A_115 : memref<1x128xi32, #tpu.memory_space<vmem>> -> memref<128xi32, #tpu.memory_space<vmem>>
        %dma_wait3A_117 = arith.constant 0 : i32
        %dma_wait3A_118 = arith.constant 0 : i32
        %dma_wait3A_119 = tpu.memref_slice %arg10[%dma_wait3A_117, %dma_wait3A_118] : memref<10112x128xf32, #tpu.memory_space<vmem_shared>> -> memref<10112x128xf32, #tpu.memory_space<vmem_shared>>
        tpu.wait_indirect_dma semaphore(%run_scoped3A : memref<!tpu.dma_semaphore, #tpu.memory_space<semaphore_mem>>) src(%arg9 : memref<128x128xf32, #tpu.memory_space<vmem>>) dst(%dma_wait3A_119 : memref<10112x128xf32, #tpu.memory_space<vmem_shared>>)
        tpu.yield
      }) : () -> ()
      %add3A_101 = arith.constant 2 : i32
      %add3A_102 = arith.addi %add3A_94, %add3A_101 : i32
      %lt3A_103 = arith.constant 80 : i32
      %lt3A_104 = arith.cmpi slt, %add3A_102, %lt3A_103 : i32
      %convert_element_type3A_105 = arith.extui %lt3A_104 : i1 to i32
      %cond3A_106 = arith.constant 0 : i32
      %cond3A_107 = arith.cmpi ne, %convert_element_type3A_105, %cond3A_106 : i32
      scf.if %cond3A_107 {
        %add3A_108 = arith.constant 2 : i32
        %add3A_109 = arith.addi %add3A_94, %add3A_108 : i32
        %dma_start3A_110 = arith.constant 0 : i32
        %dma_start3A_111 = tpu.memref_slice %arg6[%add3A_109, %dma_start3A_110] : memref<80x128xi32, #tpu.memory_space<vmem>> -> memref<1x128xi32, #tpu.memory_space<vmem>>
        %dma_start3A_112 = tpu.memref_squeeze %dma_start3A_111 : memref<1x128xi32, #tpu.memory_space<vmem>> -> memref<128xi32, #tpu.memory_space<vmem>>
        %dma_start3A_113 = arith.constant 0 : i32
        %dma_start3A_114 = arith.constant 0 : i32
        %dma_start3A_115 = tpu.memref_slice %arg2[%dma_start3A_113, %dma_start3A_114] : memref<10000x128xf32, #tpu.memory_space<hbm>> -> memref<10000x128xf32, #tpu.memory_space<hbm>>
        tpu.enqueue_indirect_dma source(%dma_start3A_115 : memref<10000x128xf32, #tpu.memory_space<hbm>>) target(%arg9 : memref<128x128xf32, #tpu.memory_space<vmem>>) offsets(%dma_start3A_112 : memref<128xi32, #tpu.memory_space<vmem>>) semaphore(%arg12 : memref<!tpu.dma_semaphore, #tpu.memory_space<semaphore_mem>>)
      } else {
      }
    }
    %scan3A_60 = arith.constant 20 : i32
    %mul3A_61 = arith.constant 80 : i32
    %mul3A_62 = arith.muli %add3A, %mul3A_61 : i32
    %add3A_63 = arith.constant 40 : i32
    %add3A_64 = arith.addi %mul3A_62, %add3A_63 : i32
    "tpu.region"() ({
      %run_scoped3A = tpu.sem_alloc : memref<!tpu.dma_semaphore, #tpu.memory_space<semaphore_mem>>
      %dma_start3A_72 = arith.constant 0 : i32
      %dma_start3A_73 = tpu.memref_slice %arg4[%add3A_64, %dma_start3A_72] : memref<2560x128xi32, #tpu.memory_space<hbm>> -> memref<40x128xi32, #tpu.memory_space<hbm>>
      %dma_start3A_74 = arith.constant 0 : i32
      %dma_start3A_75 = tpu.memref_slice %arg4[%add3A_64, %dma_start3A_74] : memref<2560x128xi32, #tpu.memory_space<hbm>> -> memref<40x128xi32, #tpu.memory_space<hbm>>
      tpu.enqueue_dma source(%dma_start3A_75 : memref<40x128xi32, #tpu.memory_space<hbm>>) target(%arg7 : memref<40x128xi32, #tpu.memory_space<vmem>>) target_semaphore(%run_scoped3A : memref<!tpu.dma_semaphore, #tpu.memory_space<semaphore_mem>>)
      %dma_wait3A_76 = arith.constant 0 : i32
      %dma_wait3A_77 = tpu.memref_slice %arg4[%add3A_64, %dma_wait3A_76] : memref<2560x128xi32, #tpu.memory_space<hbm>> -> memref<40x128xi32, #tpu.memory_space<hbm>>
      %dma_wait3A_78 = arith.constant 0 : i32
      %dma_wait3A_79 = tpu.memref_slice %arg4[%add3A_64, %dma_wait3A_78] : memref<2560x128xi32, #tpu.memory_space<hbm>> -> memref<40x128xi32, #tpu.memory_space<hbm>>
      tpu.wait_dma2 semaphore(%run_scoped3A : memref<!tpu.dma_semaphore, #tpu.memory_space<semaphore_mem>>) src(%dma_wait3A_79 : memref<40x128xi32, #tpu.memory_space<hbm>>) dst(%arg7 : memref<40x128xi32, #tpu.memory_space<vmem>>)
      tpu.yield
    }) : () -> ()
    %scan3A_65 = arith.constant 0 : i32
    %scan3A_66 = arith.constant 0 : i32
    %scan3A_67 = arith.constant 20 : i32
    %scan3A_68 = arith.addi %scan3A_66, %scan3A_67 : i32
    %scan3A_69 = arith.constant 1 : i32
    scf.for %scan3A_72 = %scan3A_66 to %scan3A_68 step %scan3A_69  : i32 {
      %mul3A_73 = arith.constant 2 : i32
      %mul3A_74 = arith.muli %mul3A_73, %scan3A_72 : i32
      %add3A_75 = arith.constant 0 : i32
      %add3A_76 = arith.addi %mul3A_74, %add3A_75 : i32
      %add3A_77 = arith.constant 40 : i32
      %add3A_78 = arith.addi %add3A_77, %add3A_76 : i32
      %dma_wait3A_79 = arith.constant 0 : i32
      %dma_wait3A_80 = tpu.memref_slice %arg6[%add3A_78, %dma_wait3A_79] : memref<80x128xi32, #tpu.memory_space<vmem>> -> memref<1x128xi32, #tpu.memory_space<vmem>>
      %dma_wait3A_81 = tpu.memref_squeeze %dma_wait3A_80 : memref<1x128xi32, #tpu.memory_space<vmem>> -> memref<128xi32, #tpu.memory_space<vmem>>
      %dma_wait3A_82 = arith.constant 0 : i32
      %dma_wait3A_83 = arith.constant 0 : i32
      %dma_wait3A_84 = tpu.memref_slice %arg2[%dma_wait3A_82, %dma_wait3A_83] : memref<10000x128xf32, #tpu.memory_space<hbm>> -> memref<10000x128xf32, #tpu.memory_space<hbm>>
      tpu.wait_indirect_dma semaphore(%arg11 : memref<!tpu.dma_semaphore, #tpu.memory_space<semaphore_mem>>) src(%dma_wait3A_84 : memref<10000x128xf32, #tpu.memory_space<hbm>>) dst(%arg8 : memref<128x128xf32, #tpu.memory_space<vmem>>)
      "tpu.region"() ({
        %run_scoped3A = tpu.sem_alloc : memref<!tpu.dma_semaphore, #tpu.memory_space<semaphore_mem>>
        %dma_start3A_108 = arith.constant 0 : i32
        %dma_start3A_109 = tpu.memref_slice %arg7[%add3A_76, %dma_start3A_108] : memref<40x128xi32, #tpu.memory_space<vmem>> -> memref<1x128xi32, #tpu.memory_space<vmem>>
        %dma_start3A_110 = tpu.memref_squeeze %dma_start3A_109 : memref<1x128xi32, #tpu.memory_space<vmem>> -> memref<128xi32, #tpu.memory_space<vmem>>
        %dma_start3A_111 = arith.constant 0 : i32
        %dma_start3A_112 = arith.constant 0 : i32
        %dma_start3A_113 = tpu.memref_slice %arg10[%dma_start3A_111, %dma_start3A_112] : memref<10112x128xf32, #tpu.memory_space<vmem_shared>> -> memref<10112x128xf32, #tpu.memory_space<vmem_shared>>
        tpu.enqueue_indirect_dma source(%arg8 : memref<128x128xf32, #tpu.memory_space<vmem>>) target(%dma_start3A_113 : memref<10112x128xf32, #tpu.memory_space<vmem_shared>>) offsets(%dma_start3A_110 : memref<128xi32, #tpu.memory_space<vmem>>) semaphore(%run_scoped3A : memref<!tpu.dma_semaphore, #tpu.memory_space<semaphore_mem>>) {add = true}
        %dma_wait3A_114 = arith.constant 0 : i32
        %dma_wait3A_115 = tpu.memref_slice %arg7[%add3A_76, %dma_wait3A_114] : memref<40x128xi32, #tpu.memory_space<vmem>> -> memref<1x128xi32, #tpu.memory_space<vmem>>
        %dma_wait3A_116 = tpu.memref_squeeze %dma_wait3A_115 : memref<1x128xi32, #tpu.memory_space<vmem>> -> memref<128xi32, #tpu.memory_space<vmem>>
        %dma_wait3A_117 = arith.constant 0 : i32
        %dma_wait3A_118 = arith.constant 0 : i32
        %dma_wait3A_119 = tpu.memref_slice %arg10[%dma_wait3A_117, %dma_wait3A_118] : memref<10112x128xf32, #tpu.memory_space<vmem_shared>> -> memref<10112x128xf32, #tpu.memory_space<vmem_shared>>
        tpu.wait_indirect_dma semaphore(%run_scoped3A : memref<!tpu.dma_semaphore, #tpu.memory_space<semaphore_mem>>) src(%arg8 : memref<128x128xf32, #tpu.memory_space<vmem>>) dst(%dma_wait3A_119 : memref<10112x128xf32, #tpu.memory_space<vmem_shared>>)
        tpu.yield
      }) : () -> ()
      %add3A_85 = arith.constant 2 : i32
      %add3A_86 = arith.addi %add3A_78, %add3A_85 : i32
      %lt3A = arith.constant 80 : i32
      %lt3A_87 = arith.cmpi slt, %add3A_86, %lt3A : i32
      %convert_element_type3A = arith.extui %lt3A_87 : i1 to i32
      %cond3A = arith.constant 0 : i32
      %cond3A_88 = arith.cmpi ne, %convert_element_type3A, %cond3A : i32
      scf.if %cond3A_88 {
        %add3A_108 = arith.constant 2 : i32
        %add3A_109 = arith.addi %add3A_78, %add3A_108 : i32
        %dma_start3A_110 = arith.constant 0 : i32
        %dma_start3A_111 = tpu.memref_slice %arg6[%add3A_109, %dma_start3A_110] : memref<80x128xi32, #tpu.memory_space<vmem>> -> memref<1x128xi32, #tpu.memory_space<vmem>>
        %dma_start3A_112 = tpu.memref_squeeze %dma_start3A_111 : memref<1x128xi32, #tpu.memory_space<vmem>> -> memref<128xi32, #tpu.memory_space<vmem>>
        %dma_start3A_113 = arith.constant 0 : i32
        %dma_start3A_114 = arith.constant 0 : i32
        %dma_start3A_115 = tpu.memref_slice %arg2[%dma_start3A_113, %dma_start3A_114] : memref<10000x128xf32, #tpu.memory_space<hbm>> -> memref<10000x128xf32, #tpu.memory_space<hbm>>
        tpu.enqueue_indirect_dma source(%dma_start3A_115 : memref<10000x128xf32, #tpu.memory_space<hbm>>) target(%arg8 : memref<128x128xf32, #tpu.memory_space<vmem>>) offsets(%dma_start3A_112 : memref<128xi32, #tpu.memory_space<vmem>>) semaphore(%arg11 : memref<!tpu.dma_semaphore, #tpu.memory_space<semaphore_mem>>)
      } else {
      }
      %mul3A_89 = arith.constant 2 : i32
      %mul3A_90 = arith.muli %mul3A_89, %scan3A_72 : i32
      %add3A_91 = arith.constant 1 : i32
      %add3A_92 = arith.addi %mul3A_90, %add3A_91 : i32
      %add3A_93 = arith.constant 40 : i32
      %add3A_94 = arith.addi %add3A_93, %add3A_92 : i32
      %dma_wait3A_95 = arith.constant 0 : i32
      %dma_wait3A_96 = tpu.memref_slice %arg6[%add3A_94, %dma_wait3A_95] : memref<80x128xi32, #tpu.memory_space<vmem>> -> memref<1x128xi32, #tpu.memory_space<vmem>>
      %dma_wait3A_97 = tpu.memref_squeeze %dma_wait3A_96 : memref<1x128xi32, #tpu.memory_space<vmem>> -> memref<128xi32, #tpu.memory_space<vmem>>
      %dma_wait3A_98 = arith.constant 0 : i32
      %dma_wait3A_99 = arith.constant 0 : i32
      %dma_wait3A_100 = tpu.memref_slice %arg2[%dma_wait3A_98, %dma_wait3A_99] : memref<10000x128xf32, #tpu.memory_space<hbm>> -> memref<10000x128xf32, #tpu.memory_space<hbm>>
      tpu.wait_indirect_dma semaphore(%arg12 : memref<!tpu.dma_semaphore, #tpu.memory_space<semaphore_mem>>) src(%dma_wait3A_100 : memref<10000x128xf32, #tpu.memory_space<hbm>>) dst(%arg9 : memref<128x128xf32, #tpu.memory_space<vmem>>)
      "tpu.region"() ({
        %run_scoped3A = tpu.sem_alloc : memref<!tpu.dma_semaphore, #tpu.memory_space<semaphore_mem>>
        %dma_start3A_108 = arith.constant 0 : i32
        %dma_start3A_109 = tpu.memref_slice %arg7[%add3A_92, %dma_start3A_108] : memref<40x128xi32, #tpu.memory_space<vmem>> -> memref<1x128xi32, #tpu.memory_space<vmem>>
        %dma_start3A_110 = tpu.memref_squeeze %dma_start3A_109 : memref<1x128xi32, #tpu.memory_space<vmem>> -> memref<128xi32, #tpu.memory_space<vmem>>
        %dma_start3A_111 = arith.constant 0 : i32
        %dma_start3A_112 = arith.constant 0 : i32
        %dma_start3A_113 = tpu.memref_slice %arg10[%dma_start3A_111, %dma_start3A_112] : memref<10112x128xf32, #tpu.memory_space<vmem_shared>> -> memref<10112x128xf32, #tpu.memory_space<vmem_shared>>
        tpu.enqueue_indirect_dma source(%arg9 : memref<128x128xf32, #tpu.memory_space<vmem>>) target(%dma_start3A_113 : memref<10112x128xf32, #tpu.memory_space<vmem_shared>>) offsets(%dma_start3A_110 : memref<128xi32, #tpu.memory_space<vmem>>) semaphore(%run_scoped3A : memref<!tpu.dma_semaphore, #tpu.memory_space<semaphore_mem>>) {add = true}
        %dma_wait3A_114 = arith.constant 0 : i32
        %dma_wait3A_115 = tpu.memref_slice %arg7[%add3A_92, %dma_wait3A_114] : memref<40x128xi32, #tpu.memory_space<vmem>> -> memref<1x128xi32, #tpu.memory_space<vmem>>
        %dma_wait3A_116 = tpu.memref_squeeze %dma_wait3A_115 : memref<1x128xi32, #tpu.memory_space<vmem>> -> memref<128xi32, #tpu.memory_space<vmem>>
        %dma_wait3A_117 = arith.constant 0 : i32
        %dma_wait3A_118 = arith.constant 0 : i32
        %dma_wait3A_119 = tpu.memref_slice %arg10[%dma_wait3A_117, %dma_wait3A_118] : memref<10112x128xf32, #tpu.memory_space<vmem_shared>> -> memref<10112x128xf32, #tpu.memory_space<vmem_shared>>
        tpu.wait_indirect_dma semaphore(%run_scoped3A : memref<!tpu.dma_semaphore, #tpu.memory_space<semaphore_mem>>) src(%arg9 : memref<128x128xf32, #tpu.memory_space<vmem>>) dst(%dma_wait3A_119 : memref<10112x128xf32, #tpu.memory_space<vmem_shared>>)
        tpu.yield
      }) : () -> ()
      %add3A_101 = arith.constant 2 : i32
      %add3A_102 = arith.addi %add3A_94, %add3A_101 : i32
      %lt3A_103 = arith.constant 80 : i32
      %lt3A_104 = arith.cmpi slt, %add3A_102, %lt3A_103 : i32
      %convert_element_type3A_105 = arith.extui %lt3A_104 : i1 to i32
      %cond3A_106 = arith.constant 0 : i32
      %cond3A_107 = arith.cmpi ne, %convert_element_type3A_105, %cond3A_106 : i32
      scf.if %cond3A_107 {
        %add3A_108 = arith.constant 2 : i32
        %add3A_109 = arith.addi %add3A_94, %add3A_108 : i32
        %dma_start3A_110 = arith.constant 0 : i32
        %dma_start3A_111 = tpu.memref_slice %arg6[%add3A_109, %dma_start3A_110] : memref<80x128xi32, #tpu.memory_space<vmem>> -> memref<1x128xi32, #tpu.memory_space<vmem>>
        %dma_start3A_112 = tpu.memref_squeeze %dma_start3A_111 : memref<1x128xi32, #tpu.memory_space<vmem>> -> memref<128xi32, #tpu.memory_space<vmem>>
        %dma_start3A_113 = arith.constant 0 : i32
        %dma_start3A_114 = arith.constant 0 : i32
        %dma_start3A_115 = tpu.memref_slice %arg2[%dma_start3A_113, %dma_start3A_114] : memref<10000x128xf32, #tpu.memory_space<hbm>> -> memref<10000x128xf32, #tpu.memory_space<hbm>>
        tpu.enqueue_indirect_dma source(%dma_start3A_115 : memref<10000x128xf32, #tpu.memory_space<hbm>>) target(%arg9 : memref<128x128xf32, #tpu.memory_space<vmem>>) offsets(%dma_start3A_112 : memref<128xi32, #tpu.memory_space<vmem>>) semaphore(%arg12 : memref<!tpu.dma_semaphore, #tpu.memory_space<semaphore_mem>>)
      } else {
      }
    }
    %scan3A_70 = arith.constant 20 : i32
    %barrier3A_71 = arith.constant 0 : index
    tpu.barrier barrier_id(%barrier3A_71)
    "tpu.region"() ({
      %run_scoped3A = tpu.sem_alloc : memref<!tpu.dma_semaphore, #tpu.memory_space<semaphore_mem>>
      %dma_start3A_72 = arith.constant 0 : i32
      %dma_start3A_73 = tpu.memref_slice %arg5[%arg0, %mul3A_2, %dma_start3A_72] : memref<2x10112x128xf32, #tpu.memory_space<hbm>> -> memref<1x632x128xf32, #tpu.memory_space<hbm>>
      %dma_start3A_74 = tpu.memref_squeeze %dma_start3A_73 : memref<1x632x128xf32, #tpu.memory_space<hbm>> -> memref<632x128xf32, #tpu.memory_space<hbm>>
      %dma_start3A_75 = arith.constant 0 : i32
      %dma_start3A_76 = tpu.memref_slice %arg10[%mul3A_2, %dma_start3A_75] : memref<10112x128xf32, #tpu.memory_space<vmem_shared>> -> memref<632x128xf32, #tpu.memory_space<vmem_shared>>
      tpu.enqueue_dma source(%dma_start3A_76 : memref<632x128xf32, #tpu.memory_space<vmem_shared>>) target(%dma_start3A_74 : memref<632x128xf32, #tpu.memory_space<hbm>>) target_semaphore(%run_scoped3A : memref<!tpu.dma_semaphore, #tpu.memory_space<semaphore_mem>>)
      %dma_wait3A_77 = arith.constant 0 : i32
      %dma_wait3A_78 = tpu.memref_slice %arg5[%arg0, %mul3A_2, %dma_wait3A_77] : memref<2x10112x128xf32, #tpu.memory_space<hbm>> -> memref<1x632x128xf32, #tpu.memory_space<hbm>>
      %dma_wait3A_79 = tpu.memref_squeeze %dma_wait3A_78 : memref<1x632x128xf32, #tpu.memory_space<hbm>> -> memref<632x128xf32, #tpu.memory_space<hbm>>
      %dma_wait3A_80 = arith.constant 0 : i32
      %dma_wait3A_81 = tpu.memref_slice %arg10[%mul3A_2, %dma_wait3A_80] : memref<10112x128xf32, #tpu.memory_space<vmem_shared>> -> memref<632x128xf32, #tpu.memory_space<vmem_shared>>
      tpu.wait_dma2 semaphore(%run_scoped3A : memref<!tpu.dma_semaphore, #tpu.memory_space<semaphore_mem>>) src(%dma_wait3A_81 : memref<632x128xf32, #tpu.memory_space<vmem_shared>>) dst(%dma_wait3A_79 : memref<632x128xf32, #tpu.memory_space<hbm>>)
      tpu.yield
    }) : () -> ()
    return
  }
}

#map = affine_map<(d0, d1) -> (0, 0)>
#map1 = affine_map<(d0, d1) -> (0, 0, 0)>
module attributes {stable_mosaic.version = 14 : i64} {
  func.func @_sc_scatter(%arg0: i32, %arg1: i32, %arg2: memref<10000x128xf32, #tpu.memory_space<hbm>>, %arg3: memref<2560x128xi32, #tpu.memory_space<hbm>>, %arg4: memref<2560x128xi32, #tpu.memory_space<hbm>>, %arg5: memref<2x10112x128xf32, #tpu.memory_space<hbm>>, %arg6: memref<80x128xi32, #tpu.memory_space<vmem>>, %arg7: memref<40x128xi32, #tpu.memory_space<vmem>>, %arg8: memref<128x128xf32, #tpu.memory_space<vmem>>, %arg9: memref<128x128xf32, #tpu.memory_space<vmem>>, %arg10: memref<10112x128xf32, #tpu.memory_space<vmem_shared>>, %arg11: memref<!tpu.dma_semaphore, #tpu.memory_space<semaphore_mem>>, %arg12: memref<!tpu.dma_semaphore, #tpu.memory_space<semaphore_mem>>, %arg13: memref<!tpu.dma_semaphore, #tpu.memory_space<semaphore_mem>>) attributes {dimension_semantics = [#tpu.dimension_semantics<core_parallel>, #tpu.dimension_semantics<subcore_parallel>], iteration_bounds = array<i64: 2, 16>, scalar_prefetch = 0 : i64, scratch_operands = 8 : i64, tpu.core_type = #tpu.core_type<sc_vector_subcore>, window_params = [{transform_indices = #map}, {transform_indices = #map}, {transform_indices = #map}, {transform_indices = #map1}]} {
    %mul3A = arith.constant 2 : i32
    %mul3A_0 = arith.muli %arg1, %mul3A : i32
    %add3A = arith.addi %mul3A_0, %arg0 : i32
    %mul3A_1 = arith.constant 632 : i32
    %mul3A_2 = arith.muli %arg1, %mul3A_1 : i32
    %mul3A_3 = arith.constant 80 : i32
    %mul3A_4 = arith.muli %add3A, %mul3A_3 : i32
    %dma_start3A = arith.constant 0 : i32
    %dma_start3A_5 = tpu.memref_slice %arg3[%mul3A_4, %dma_start3A] : memref<2560x128xi32, #tpu.memory_space<hbm>> -> memref<80x128xi32, #tpu.memory_space<hbm>>
    %dma_start3A_6 = arith.constant 0 : i32
    %dma_start3A_7 = tpu.memref_slice %arg3[%mul3A_4, %dma_start3A_6] : memref<2560x128xi32, #tpu.memory_space<hbm>> -> memref<80x128xi32, #tpu.memory_space<hbm>>
    tpu.enqueue_dma source(%dma_start3A_7 : memref<80x128xi32, #tpu.memory_space<hbm>>) target(%arg6 : memref<80x128xi32, #tpu.memory_space<vmem>>) target_semaphore(%arg13 : memref<!tpu.dma_semaphore, #tpu.memory_space<semaphore_mem>>)
    %mul3A_8 = arith.constant 80 : i32
    %mul3A_9 = arith.muli %add3A, %mul3A_8 : i32
    %dma_start3A_10 = arith.constant 0 : i32
    %dma_start3A_11 = tpu.memref_slice %arg4[%mul3A_9, %dma_start3A_10] : memref<2560x128xi32, #tpu.memory_space<hbm>> -> memref<40x128xi32, #tpu.memory_space<hbm>>
    %dma_start3A_12 = arith.constant 0 : i32
    %dma_start3A_13 = tpu.memref_slice %arg4[%mul3A_9, %dma_start3A_12] : memref<2560x128xi32, #tpu.memory_space<hbm>> -> memref<40x128xi32, #tpu.memory_space<hbm>>
    tpu.enqueue_dma source(%dma_start3A_13 : memref<40x128xi32, #tpu.memory_space<hbm>>) target(%arg7 : memref<40x128xi32, #tpu.memory_space<vmem>>) target_semaphore(%arg13 : memref<!tpu.dma_semaphore, #tpu.memory_space<semaphore_mem>>)
    %broadcast_in_dim3A = arith.constant 0.000000e+00 : f32
    %broadcast_in_dim3A_14 = vector.broadcast %broadcast_in_dim3A : f32 to vector<16xf32>
    %scan3A = arith.constant 0 : i32
    %scan3A_15 = arith.constant 0 : i32
    %scan3A_16 = arith.constant 128 : i32
    %scan3A_17 = arith.addi %scan3A_15, %scan3A_16 : i32
    %scan3A_18 = arith.constant 1 : i32
    scf.for %scan3A_72 = %scan3A_15 to %scan3A_17 step %scan3A_18  : i32 {
      %swap3A = arith.index_cast %scan3A_72 : i32 to index
      %swap3A_73 = arith.constant 0 : index
      %swap3A_74 = tpu.vector_load %arg9[%swap3A, %swap3A_73] {strides = array<i32>} : memref<128x128xf32, #tpu.memory_space<vmem>>, vector<1x16xf32>,
      %swap3A_75 = vector.shape_cast %swap3A_74 : vector<1x16xf32> to vector<16xf32>
      %swap3A_76 = vector.shape_cast %broadcast_in_dim3A_14 : vector<16xf32> to vector<1x16xf32>
      tpu.vector_store %arg9[%swap3A, %swap3A_73], %swap3A_76 {strides = array<i32>} : memref<128x128xf32, #tpu.memory_space<vmem>>, vector<1x16xf32>,
      %swap3A_77 = arith.index_cast %scan3A_72 : i32 to index
      %swap3A_78 = arith.constant 16 : index
      %swap3A_79 = tpu.vector_load %arg9[%swap3A_77, %swap3A_78] {strides = array<i32>} : memref<128x128xf32, #tpu.memory_space<vmem>>, vector<1x16xf32>,
      %swap3A_80 = vector.shape_cast %swap3A_79 : vector<1x16xf32> to vector<16xf32>
      %swap3A_81 = vector.shape_cast %broadcast_in_dim3A_14 : vector<16xf32> to vector<1x16xf32>
      tpu.vector_store %arg9[%swap3A_77, %swap3A_78], %swap3A_81 {strides = array<i32>} : memref<128x128xf32, #tpu.memory_space<vmem>>, vector<1x16xf32>,
      %swap3A_82 = arith.index_cast %scan3A_72 : i32 to index
      %swap3A_83 = arith.constant 32 : index
      %swap3A_84 = tpu.vector_load %arg9[%swap3A_82, %swap3A_83] {strides = array<i32>} : memref<128x128xf32, #tpu.memory_space<vmem>>, vector<1x16xf32>,
      %swap3A_85 = vector.shape_cast %swap3A_84 : vector<1x16xf32> to vector<16xf32>
      %swap3A_86 = vector.shape_cast %broadcast_in_dim3A_14 : vector<16xf32> to vector<1x16xf32>
      tpu.vector_store %arg9[%swap3A_82, %swap3A_83], %swap3A_86 {strides = array<i32>} : memref<128x128xf32, #tpu.memory_space<vmem>>, vector<1x16xf32>,
      %swap3A_87 = arith.index_cast %scan3A_72 : i32 to index
      %swap3A_88 = arith.constant 48 : index
      %swap3A_89 = tpu.vector_load %arg9[%swap3A_87, %swap3A_88] {strides = array<i32>} : memref<128x128xf32, #tpu.memory_space<vmem>>, vector<1x16xf32>,
      %swap3A_90 = vector.shape_cast %swap3A_89 : vector<1x16xf32> to vector<16xf32>
      %swap3A_91 = vector.shape_cast %broadcast_in_dim3A_14 : vector<16xf32> to vector<1x16xf32>
      tpu.vector_store %arg9[%swap3A_87, %swap3A_88], %swap3A_91 {strides = array<i32>} : memref<128x128xf32, #tpu.memory_space<vmem>>, vector<1x16xf32>,
      %swap3A_92 = arith.index_cast %scan3A_72 : i32 to index
      %swap3A_93 = arith.constant 64 : index
      %swap3A_94 = tpu.vector_load %arg9[%swap3A_92, %swap3A_93] {strides = array<i32>} : memref<128x128xf32, #tpu.memory_space<vmem>>, vector<1x16xf32>,
      %swap3A_95 = vector.shape_cast %swap3A_94 : vector<1x16xf32> to vector<16xf32>
      %swap3A_96 = vector.shape_cast %broadcast_in_dim3A_14 : vector<16xf32> to vector<1x16xf32>
      tpu.vector_store %arg9[%swap3A_92, %swap3A_93], %swap3A_96 {strides = array<i32>} : memref<128x128xf32, #tpu.memory_space<vmem>>, vector<1x16xf32>,
      %swap3A_97 = arith.index_cast %scan3A_72 : i32 to index
      %swap3A_98 = arith.constant 80 : index
      %swap3A_99 = tpu.vector_load %arg9[%swap3A_97, %swap3A_98] {strides = array<i32>} : memref<128x128xf32, #tpu.memory_space<vmem>>, vector<1x16xf32>,
      %swap3A_100 = vector.shape_cast %swap3A_99 : vector<1x16xf32> to vector<16xf32>
      %swap3A_101 = vector.shape_cast %broadcast_in_dim3A_14 : vector<16xf32> to vector<1x16xf32>
      tpu.vector_store %arg9[%swap3A_97, %swap3A_98], %swap3A_101 {strides = array<i32>} : memref<128x128xf32, #tpu.memory_space<vmem>>, vector<1x16xf32>,
      %swap3A_102 = arith.index_cast %scan3A_72 : i32 to index
      %swap3A_103 = arith.constant 96 : index
      %swap3A_104 = tpu.vector_load %arg9[%swap3A_102, %swap3A_103] {strides = array<i32>} : memref<128x128xf32, #tpu.memory_space<vmem>>, vector<1x16xf32>,
      %swap3A_105 = vector.shape_cast %swap3A_104 : vector<1x16xf32> to vector<16xf32>
      %swap3A_106 = vector.shape_cast %broadcast_in_dim3A_14 : vector<16xf32> to vector<1x16xf32>
      tpu.vector_store %arg9[%swap3A_102, %swap3A_103], %swap3A_106 {strides = array<i32>} : memref<128x128xf32, #tpu.memory_space<vmem>>, vector<1x16xf32>,
      %swap3A_107 = arith.index_cast %scan3A_72 : i32 to index
      %swap3A_108 = arith.constant 112 : index
      %swap3A_109 = tpu.vector_load %arg9[%swap3A_107, %swap3A_108] {strides = array<i32>} : memref<128x128xf32, #tpu.memory_space<vmem>>, vector<1x16xf32>,
      %swap3A_110 = vector.shape_cast %swap3A_109 : vector<1x16xf32> to vector<16xf32>
      %swap3A_111 = vector.shape_cast %broadcast_in_dim3A_14 : vector<16xf32> to vector<1x16xf32>
      tpu.vector_store %arg9[%swap3A_107, %swap3A_108], %swap3A_111 {strides = array<i32>} : memref<128x128xf32, #tpu.memory_space<vmem>>, vector<1x16xf32>,
    }
    %scan3A_19 = arith.constant 128 : i32
    %add3A_20 = arith.constant 0 : i32
    %add3A_21 = arith.addi %mul3A_2, %add3A_20 : i32
    "tpu.region"() ({
      %run_scoped3A = tpu.sem_alloc : memref<!tpu.dma_semaphore, #tpu.memory_space<semaphore_mem>>
      %dma_start3A_72 = arith.constant 0 : i32
      %dma_start3A_73 = tpu.memref_slice %arg10[%add3A_21, %dma_start3A_72] : memref<10112x128xf32, #tpu.memory_space<vmem_shared>> -> memref<128x128xf32, #tpu.memory_space<vmem_shared>>
      %dma_start3A_74 = arith.constant 0 : i32
      %dma_start3A_75 = tpu.memref_slice %arg10[%add3A_21, %dma_start3A_74] : memref<10112x128xf32, #tpu.memory_space<vmem_shared>> -> memref<128x128xf32, #tpu.memory_space<vmem_shared>>
      tpu.enqueue_dma source(%arg9 : memref<128x128xf32, #tpu.memory_space<vmem>>) target(%dma_start3A_75 : memref<128x128xf32, #tpu.memory_space<vmem_shared>>) target_semaphore(%run_scoped3A : memref<!tpu.dma_semaphore, #tpu.memory_space<semaphore_mem>>)
      %dma_wait3A_76 = arith.constant 0 : i32
      %dma_wait3A_77 = tpu.memref_slice %arg10[%add3A_21, %dma_wait3A_76] : memref<10112x128xf32, #tpu.memory_space<vmem_shared>> -> memref<128x128xf32, #tpu.memory_space<vmem_shared>>
      %dma_wait3A_78 = arith.constant 0 : i32
      %dma_wait3A_79 = tpu.memref_slice %arg10[%add3A_21, %dma_wait3A_78] : memref<10112x128xf32, #tpu.memory_space<vmem_shared>> -> memref<128x128xf32, #tpu.memory_space<vmem_shared>>
      tpu.wait_dma2 semaphore(%run_scoped3A : memref<!tpu.dma_semaphore, #tpu.memory_space<semaphore_mem>>) src(%arg9 : memref<128x128xf32, #tpu.memory_space<vmem>>) dst(%dma_wait3A_79 : memref<128x128xf32, #tpu.memory_space<vmem_shared>>)
      tpu.yield
    }) : () -> ()
    %add3A_22 = arith.constant 128 : i32
    %add3A_23 = arith.addi %mul3A_2, %add3A_22 : i32
    "tpu.region"() ({
      %run_scoped3A = tpu.sem_alloc : memref<!tpu.dma_semaphore, #tpu.memory_space<semaphore_mem>>
      %dma_start3A_72 = arith.constant 0 : i32
      %dma_start3A_73 = tpu.memref_slice %arg10[%add3A_23, %dma_start3A_72] : memref<10112x128xf32, #tpu.memory_space<vmem_shared>> -> memref<128x128xf32, #tpu.memory_space<vmem_shared>>
      %dma_start3A_74 = arith.constant 0 : i32
      %dma_start3A_75 = tpu.memref_slice %arg10[%add3A_23, %dma_start3A_74] : memref<10112x128xf32, #tpu.memory_space<vmem_shared>> -> memref<128x128xf32, #tpu.memory_space<vmem_shared>>
      tpu.enqueue_dma source(%arg9 : memref<128x128xf32, #tpu.memory_space<vmem>>) target(%dma_start3A_75 : memref<128x128xf32, #tpu.memory_space<vmem_shared>>) target_semaphore(%run_scoped3A : memref<!tpu.dma_semaphore, #tpu.memory_space<semaphore_mem>>)
      %dma_wait3A_76 = arith.constant 0 : i32
      %dma_wait3A_77 = tpu.memref_slice %arg10[%add3A_23, %dma_wait3A_76] : memref<10112x128xf32, #tpu.memory_space<vmem_shared>> -> memref<128x128xf32, #tpu.memory_space<vmem_shared>>
      %dma_wait3A_78 = arith.constant 0 : i32
      %dma_wait3A_79 = tpu.memref_slice %arg10[%add3A_23, %dma_wait3A_78] : memref<10112x128xf32, #tpu.memory_space<vmem_shared>> -> memref<128x128xf32, #tpu.memory_space<vmem_shared>>
      tpu.wait_dma2 semaphore(%run_scoped3A : memref<!tpu.dma_semaphore, #tpu.memory_space<semaphore_mem>>) src(%arg9 : memref<128x128xf32, #tpu.memory_space<vmem>>) dst(%dma_wait3A_79 : memref<128x128xf32, #tpu.memory_space<vmem_shared>>)
      tpu.yield
    }) : () -> ()
    %add3A_24 = arith.constant 256 : i32
    %add3A_25 = arith.addi %mul3A_2, %add3A_24 : i32
    "tpu.region"() ({
      %run_scoped3A = tpu.sem_alloc : memref<!tpu.dma_semaphore, #tpu.memory_space<semaphore_mem>>
      %dma_start3A_72 = arith.constant 0 : i32
      %dma_start3A_73 = tpu.memref_slice %arg10[%add3A_25, %dma_start3A_72] : memref<10112x128xf32, #tpu.memory_space<vmem_shared>> -> memref<128x128xf32, #tpu.memory_space<vmem_shared>>
      %dma_start3A_74 = arith.constant 0 : i32
      %dma_start3A_75 = tpu.memref_slice %arg10[%add3A_25, %dma_start3A_74] : memref<10112x128xf32, #tpu.memory_space<vmem_shared>> -> memref<128x128xf32, #tpu.memory_space<vmem_shared>>
      tpu.enqueue_dma source(%arg9 : memref<128x128xf32, #tpu.memory_space<vmem>>) target(%dma_start3A_75 : memref<128x128xf32, #tpu.memory_space<vmem_shared>>) target_semaphore(%run_scoped3A : memref<!tpu.dma_semaphore, #tpu.memory_space<semaphore_mem>>)
      %dma_wait3A_76 = arith.constant 0 : i32
      %dma_wait3A_77 = tpu.memref_slice %arg10[%add3A_25, %dma_wait3A_76] : memref<10112x128xf32, #tpu.memory_space<vmem_shared>> -> memref<128x128xf32, #tpu.memory_space<vmem_shared>>
      %dma_wait3A_78 = arith.constant 0 : i32
      %dma_wait3A_79 = tpu.memref_slice %arg10[%add3A_25, %dma_wait3A_78] : memref<10112x128xf32, #tpu.memory_space<vmem_shared>> -> memref<128x128xf32, #tpu.memory_space<vmem_shared>>
      tpu.wait_dma2 semaphore(%run_scoped3A : memref<!tpu.dma_semaphore, #tpu.memory_space<semaphore_mem>>) src(%arg9 : memref<128x128xf32, #tpu.memory_space<vmem>>) dst(%dma_wait3A_79 : memref<128x128xf32, #tpu.memory_space<vmem_shared>>)
      tpu.yield
    }) : () -> ()
    %add3A_26 = arith.constant 384 : i32
    %add3A_27 = arith.addi %mul3A_2, %add3A_26 : i32
    "tpu.region"() ({
      %run_scoped3A = tpu.sem_alloc : memref<!tpu.dma_semaphore, #tpu.memory_space<semaphore_mem>>
      %dma_start3A_72 = arith.constant 0 : i32
      %dma_start3A_73 = tpu.memref_slice %arg10[%add3A_27, %dma_start3A_72] : memref<10112x128xf32, #tpu.memory_space<vmem_shared>> -> memref<128x128xf32, #tpu.memory_space<vmem_shared>>
      %dma_start3A_74 = arith.constant 0 : i32
      %dma_start3A_75 = tpu.memref_slice %arg10[%add3A_27, %dma_start3A_74] : memref<10112x128xf32, #tpu.memory_space<vmem_shared>> -> memref<128x128xf32, #tpu.memory_space<vmem_shared>>
      tpu.enqueue_dma source(%arg9 : memref<128x128xf32, #tpu.memory_space<vmem>>) target(%dma_start3A_75 : memref<128x128xf32, #tpu.memory_space<vmem_shared>>) target_semaphore(%run_scoped3A : memref<!tpu.dma_semaphore, #tpu.memory_space<semaphore_mem>>)
      %dma_wait3A_76 = arith.constant 0 : i32
      %dma_wait3A_77 = tpu.memref_slice %arg10[%add3A_27, %dma_wait3A_76] : memref<10112x128xf32, #tpu.memory_space<vmem_shared>> -> memref<128x128xf32, #tpu.memory_space<vmem_shared>>
      %dma_wait3A_78 = arith.constant 0 : i32
      %dma_wait3A_79 = tpu.memref_slice %arg10[%add3A_27, %dma_wait3A_78] : memref<10112x128xf32, #tpu.memory_space<vmem_shared>> -> memref<128x128xf32, #tpu.memory_space<vmem_shared>>
      tpu.wait_dma2 semaphore(%run_scoped3A : memref<!tpu.dma_semaphore, #tpu.memory_space<semaphore_mem>>) src(%arg9 : memref<128x128xf32, #tpu.memory_space<vmem>>) dst(%dma_wait3A_79 : memref<128x128xf32, #tpu.memory_space<vmem_shared>>)
      tpu.yield
    }) : () -> ()
    %add3A_28 = arith.constant 512 : i32
    %add3A_29 = arith.addi %mul3A_2, %add3A_28 : i32
    "tpu.region"() ({
      %run_scoped3A = tpu.sem_alloc : memref<!tpu.dma_semaphore, #tpu.memory_space<semaphore_mem>>
      %dma_start3A_72 = arith.constant 0 : i32
      %dma_start3A_73 = arith.constant 0 : i32
      %dma_start3A_74 = tpu.memref_slice %arg9[%dma_start3A_72, %dma_start3A_73] : memref<128x128xf32, #tpu.memory_space<vmem>> -> memref<120x128xf32, #tpu.memory_space<vmem>>
      %dma_start3A_75 = arith.constant 0 : i32
      %dma_start3A_76 = tpu.memref_slice %arg10[%add3A_29, %dma_start3A_75] : memref<10112x128xf32, #tpu.memory_space<vmem_shared>> -> memref<120x128xf32, #tpu.memory_space<vmem_shared>>
      %dma_start3A_77 = arith.constant 0 : i32
      %dma_start3A_78 = tpu.memref_slice %arg10[%add3A_29, %dma_start3A_77] : memref<10112x128xf32, #tpu.memory_space<vmem_shared>> -> memref<120x128xf32, #tpu.memory_space<vmem_shared>>
      %dma_start3A_79 = arith.constant 0 : i32
      %dma_start3A_80 = arith.constant 0 : i32
      %dma_start3A_81 = tpu.memref_slice %arg9[%dma_start3A_79, %dma_start3A_80] : memref<128x128xf32, #tpu.memory_space<vmem>> -> memref<120x128xf32, #tpu.memory_space<vmem>>
      tpu.enqueue_dma source(%dma_start3A_81 : memref<120x128xf32, #tpu.memory_space<vmem>>) target(%dma_start3A_78 : memref<120x128xf32, #tpu.memory_space<vmem_shared>>) target_semaphore(%run_scoped3A : memref<!tpu.dma_semaphore, #tpu.memory_space<semaphore_mem>>)
      %dma_wait3A_82 = arith.constant 0 : i32
      %dma_wait3A_83 = arith.constant 0 : i32
      %dma_wait3A_84 = tpu.memref_slice %arg9[%dma_wait3A_82, %dma_wait3A_83] : memref<128x128xf32, #tpu.memory_space<vmem>> -> memref<120x128xf32, #tpu.memory_space<vmem>>
      %dma_wait3A_85 = arith.constant 0 : i32
      %dma_wait3A_86 = tpu.memref_slice %arg10[%add3A_29, %dma_wait3A_85] : memref<10112x128xf32, #tpu.memory_space<vmem_shared>> -> memref<120x128xf32, #tpu.memory_space<vmem_shared>>
      %dma_wait3A_87 = arith.constant 0 : i32
      %dma_wait3A_88 = tpu.memref_slice %arg10[%add3A_29, %dma_wait3A_87] : memref<10112x128xf32, #tpu.memory_space<vmem_shared>> -> memref<120x128xf32, #tpu.memory_space<vmem_shared>>
      %dma_wait3A_89 = arith.constant 0 : i32
      %dma_wait3A_90 = arith.constant 0 : i32
      %dma_wait3A_91 = tpu.memref_slice %arg9[%dma_wait3A_89, %dma_wait3A_90] : memref<128x128xf32, #tpu.memory_space<vmem>> -> memref<120x128xf32, #tpu.memory_space<vmem>>
      tpu.wait_dma2 semaphore(%run_scoped3A : memref<!tpu.dma_semaphore, #tpu.memory_space<semaphore_mem>>) src(%dma_wait3A_91 : memref<120x128xf32, #tpu.memory_space<vmem>>) dst(%dma_wait3A_88 : memref<120x128xf32, #tpu.memory_space<vmem_shared>>)
      tpu.yield
    }) : () -> ()
    %dma_wait3A = arith.constant 0 : i32
    %dma_wait3A_30 = arith.constant 0 : i32
    %dma_wait3A_31 = tpu.memref_slice %arg3[%dma_wait3A, %dma_wait3A_30] : memref<2560x128xi32, #tpu.memory_space<hbm>> -> memref<80x128xi32, #tpu.memory_space<hbm>>
    %dma_wait3A_32 = arith.constant 0 : i32
    %dma_wait3A_33 = arith.constant 0 : i32
    %dma_wait3A_34 = tpu.memref_slice %arg3[%dma_wait3A_32, %dma_wait3A_33] : memref<2560x128xi32, #tpu.memory_space<hbm>> -> memref<80x128xi32, #tpu.memory_space<hbm>>
    tpu.wait_dma2 semaphore(%arg13 : memref<!tpu.dma_semaphore, #tpu.memory_space<semaphore_mem>>) src(%dma_wait3A_34 : memref<80x128xi32, #tpu.memory_space<hbm>>) dst(%arg6 : memref<80x128xi32, #tpu.memory_space<vmem>>)
    %dma_wait3A_35 = arith.constant 0 : i32
    %dma_wait3A_36 = arith.constant 0 : i32
    %dma_wait3A_37 = tpu.memref_slice %arg4[%dma_wait3A_35, %dma_wait3A_36] : memref<2560x128xi32, #tpu.memory_space<hbm>> -> memref<40x128xi32, #tpu.memory_space<hbm>>
    %dma_wait3A_38 = arith.constant 0 : i32
    %dma_wait3A_39 = arith.constant 0 : i32
    %dma_wait3A_40 = tpu.memref_slice %arg4[%dma_wait3A_38, %dma_wait3A_39] : memref<2560x128xi32, #tpu.memory_space<hbm>> -> memref<40x128xi32, #tpu.memory_space<hbm>>
    tpu.wait_dma2 semaphore(%arg13 : memref<!tpu.dma_semaphore, #tpu.memory_space<semaphore_mem>>) src(%dma_wait3A_40 : memref<40x128xi32, #tpu.memory_space<hbm>>) dst(%arg7 : memref<40x128xi32, #tpu.memory_space<vmem>>)
    %dma_start3A_41 = arith.constant 0 : i32
    %dma_start3A_42 = arith.constant 0 : i32
    %dma_start3A_43 = tpu.memref_slice %arg6[%dma_start3A_41, %dma_start3A_42] : memref<80x128xi32, #tpu.memory_space<vmem>> -> memref<1x128xi32, #tpu.memory_space<vmem>>
    %dma_start3A_44 = tpu.memref_squeeze %dma_start3A_43 : memref<1x128xi32, #tpu.memory_space<vmem>> -> memref<128xi32, #tpu.memory_space<vmem>>
    %dma_start3A_45 = arith.constant 0 : i32
    %dma_start3A_46 = arith.constant 0 : i32
    %dma_start3A_47 = tpu.memref_slice %arg2[%dma_start3A_45, %dma_start3A_46] : memref<10000x128xf32, #tpu.memory_space<hbm>> -> memref<10000x128xf32, #tpu.memory_space<hbm>>
    tpu.enqueue_indirect_dma source(%dma_start3A_47 : memref<10000x128xf32, #tpu.memory_space<hbm>>) target(%arg8 : memref<128x128xf32, #tpu.memory_space<vmem>>) offsets(%dma_start3A_44 : memref<128xi32, #tpu.memory_space<vmem>>) semaphore(%arg11 : memref<!tpu.dma_semaphore, #tpu.memory_space<semaphore_mem>>)
    %dma_start3A_48 = arith.constant 1 : i32
    %dma_start3A_49 = arith.constant 0 : i32
    %dma_start3A_50 = tpu.memref_slice %arg6[%dma_start3A_48, %dma_start3A_49] : memref<80x128xi32, #tpu.memory_space<vmem>> -> memref<1x128xi32, #tpu.memory_space<vmem>>
    %dma_start3A_51 = tpu.memref_squeeze %dma_start3A_50 : memref<1x128xi32, #tpu.memory_space<vmem>> -> memref<128xi32, #tpu.memory_space<vmem>>
    %dma_start3A_52 = arith.constant 0 : i32
    %dma_start3A_53 = arith.constant 0 : i32
    %dma_start3A_54 = tpu.memref_slice %arg2[%dma_start3A_52, %dma_start3A_53] : memref<10000x128xf32, #tpu.memory_space<hbm>> -> memref<10000x128xf32, #tpu.memory_space<hbm>>
    tpu.enqueue_indirect_dma source(%dma_start3A_54 : memref<10000x128xf32, #tpu.memory_space<hbm>>) target(%arg9 : memref<128x128xf32, #tpu.memory_space<vmem>>) offsets(%dma_start3A_51 : memref<128xi32, #tpu.memory_space<vmem>>) semaphore(%arg12 : memref<!tpu.dma_semaphore, #tpu.memory_space<semaphore_mem>>)
    %barrier3A = arith.constant 0 : index
    tpu.barrier barrier_id(%barrier3A)
    %scan3A_55 = arith.constant 0 : i32
    %scan3A_56 = arith.constant 0 : i32
    %scan3A_57 = arith.constant 20 : i32
    %scan3A_58 = arith.addi %scan3A_56, %scan3A_57 : i32
    %scan3A_59 = arith.constant 1 : i32
    scf.for %scan3A_72 = %scan3A_56 to %scan3A_58 step %scan3A_59  : i32 {
      %mul3A_73 = arith.constant 2 : i32
      %mul3A_74 = arith.muli %mul3A_73, %scan3A_72 : i32
      %add3A_75 = arith.constant 0 : i32
      %add3A_76 = arith.addi %mul3A_74, %add3A_75 : i32
      %add3A_77 = arith.constant 0 : i32
      %add3A_78 = arith.addi %add3A_77, %add3A_76 : i32
      %dma_wait3A_79 = arith.constant 0 : i32
      %dma_wait3A_80 = tpu.memref_slice %arg6[%add3A_78, %dma_wait3A_79] : memref<80x128xi32, #tpu.memory_space<vmem>> -> memref<1x128xi32, #tpu.memory_space<vmem>>
      %dma_wait3A_81 = tpu.memref_squeeze %dma_wait3A_80 : memref<1x128xi32, #tpu.memory_space<vmem>> -> memref<128xi32, #tpu.memory_space<vmem>>
      %dma_wait3A_82 = arith.constant 0 : i32
      %dma_wait3A_83 = arith.constant 0 : i32
      %dma_wait3A_84 = tpu.memref_slice %arg2[%dma_wait3A_82, %dma_wait3A_83] : memref<10000x128xf32, #tpu.memory_space<hbm>> -> memref<10000x128xf32, #tpu.memory_space<hbm>>
      tpu.wait_indirect_dma semaphore(%arg11 : memref<!tpu.dma_semaphore, #tpu.memory_space<semaphore_mem>>) src(%dma_wait3A_84 : memref<10000x128xf32, #tpu.memory_space<hbm>>) dst(%arg8 : memref<128x128xf32, #tpu.memory_space<vmem>>)
      "tpu.region"() ({
        %run_scoped3A = tpu.sem_alloc : memref<!tpu.dma_semaphore, #tpu.memory_space<semaphore_mem>>
        %dma_start3A_108 = arith.constant 0 : i32
        %dma_start3A_109 = tpu.memref_slice %arg7[%add3A_76, %dma_start3A_108] : memref<40x128xi32, #tpu.memory_space<vmem>> -> memref<1x128xi32, #tpu.memory_space<vmem>>
        %dma_start3A_110 = tpu.memref_squeeze %dma_start3A_109 : memref<1x128xi32, #tpu.memory_space<vmem>> -> memref<128xi32, #tpu.memory_space<vmem>>
        %dma_start3A_111 = arith.constant 0 : i32
        %dma_start3A_112 = arith.constant 0 : i32
        %dma_start3A_113 = tpu.memref_slice %arg10[%dma_start3A_111, %dma_start3A_112] : memref<10112x128xf32, #tpu.memory_space<vmem_shared>> -> memref<10112x128xf32, #tpu.memory_space<vmem_shared>>
        tpu.enqueue_indirect_dma source(%arg8 : memref<128x128xf32, #tpu.memory_space<vmem>>) target(%dma_start3A_113 : memref<10112x128xf32, #tpu.memory_space<vmem_shared>>) offsets(%dma_start3A_110 : memref<128xi32, #tpu.memory_space<vmem>>) semaphore(%run_scoped3A : memref<!tpu.dma_semaphore, #tpu.memory_space<semaphore_mem>>) {add = true}
        %dma_wait3A_114 = arith.constant 0 : i32
        %dma_wait3A_115 = tpu.memref_slice %arg7[%add3A_76, %dma_wait3A_114] : memref<40x128xi32, #tpu.memory_space<vmem>> -> memref<1x128xi32, #tpu.memory_space<vmem>>
        %dma_wait3A_116 = tpu.memref_squeeze %dma_wait3A_115 : memref<1x128xi32, #tpu.memory_space<vmem>> -> memref<128xi32, #tpu.memory_space<vmem>>
        %dma_wait3A_117 = arith.constant 0 : i32
        %dma_wait3A_118 = arith.constant 0 : i32
        %dma_wait3A_119 = tpu.memref_slice %arg10[%dma_wait3A_117, %dma_wait3A_118] : memref<10112x128xf32, #tpu.memory_space<vmem_shared>> -> memref<10112x128xf32, #tpu.memory_space<vmem_shared>>
        tpu.wait_indirect_dma semaphore(%run_scoped3A : memref<!tpu.dma_semaphore, #tpu.memory_space<semaphore_mem>>) src(%arg8 : memref<128x128xf32, #tpu.memory_space<vmem>>) dst(%dma_wait3A_119 : memref<10112x128xf32, #tpu.memory_space<vmem_shared>>)
        tpu.yield
      }) : () -> ()
      %add3A_85 = arith.constant 2 : i32
      %add3A_86 = arith.addi %add3A_78, %add3A_85 : i32
      %lt3A = arith.constant 80 : i32
      %lt3A_87 = arith.cmpi slt, %add3A_86, %lt3A : i32
      %convert_element_type3A = arith.extui %lt3A_87 : i1 to i32
      %cond3A = arith.constant 0 : i32
      %cond3A_88 = arith.cmpi ne, %convert_element_type3A, %cond3A : i32
      scf.if %cond3A_88 {
        %add3A_108 = arith.constant 2 : i32
        %add3A_109 = arith.addi %add3A_78, %add3A_108 : i32
        %dma_start3A_110 = arith.constant 0 : i32
        %dma_start3A_111 = tpu.memref_slice %arg6[%add3A_109, %dma_start3A_110] : memref<80x128xi32, #tpu.memory_space<vmem>> -> memref<1x128xi32, #tpu.memory_space<vmem>>
        %dma_start3A_112 = tpu.memref_squeeze %dma_start3A_111 : memref<1x128xi32, #tpu.memory_space<vmem>> -> memref<128xi32, #tpu.memory_space<vmem>>
        %dma_start3A_113 = arith.constant 0 : i32
        %dma_start3A_114 = arith.constant 0 : i32
        %dma_start3A_115 = tpu.memref_slice %arg2[%dma_start3A_113, %dma_start3A_114] : memref<10000x128xf32, #tpu.memory_space<hbm>> -> memref<10000x128xf32, #tpu.memory_space<hbm>>
        tpu.enqueue_indirect_dma source(%dma_start3A_115 : memref<10000x128xf32, #tpu.memory_space<hbm>>) target(%arg8 : memref<128x128xf32, #tpu.memory_space<vmem>>) offsets(%dma_start3A_112 : memref<128xi32, #tpu.memory_space<vmem>>) semaphore(%arg11 : memref<!tpu.dma_semaphore, #tpu.memory_space<semaphore_mem>>)
      } else {
      }
      %mul3A_89 = arith.constant 2 : i32
      %mul3A_90 = arith.muli %mul3A_89, %scan3A_72 : i32
      %add3A_91 = arith.constant 1 : i32
      %add3A_92 = arith.addi %mul3A_90, %add3A_91 : i32
      %add3A_93 = arith.constant 0 : i32
      %add3A_94 = arith.addi %add3A_93, %add3A_92 : i32
      %dma_wait3A_95 = arith.constant 0 : i32
      %dma_wait3A_96 = tpu.memref_slice %arg6[%add3A_94, %dma_wait3A_95] : memref<80x128xi32, #tpu.memory_space<vmem>> -> memref<1x128xi32, #tpu.memory_space<vmem>>
      %dma_wait3A_97 = tpu.memref_squeeze %dma_wait3A_96 : memref<1x128xi32, #tpu.memory_space<vmem>> -> memref<128xi32, #tpu.memory_space<vmem>>
      %dma_wait3A_98 = arith.constant 0 : i32
      %dma_wait3A_99 = arith.constant 0 : i32
      %dma_wait3A_100 = tpu.memref_slice %arg2[%dma_wait3A_98, %dma_wait3A_99] : memref<10000x128xf32, #tpu.memory_space<hbm>> -> memref<10000x128xf32, #tpu.memory_space<hbm>>
      tpu.wait_indirect_dma semaphore(%arg12 : memref<!tpu.dma_semaphore, #tpu.memory_space<semaphore_mem>>) src(%dma_wait3A_100 : memref<10000x128xf32, #tpu.memory_space<hbm>>) dst(%arg9 : memref<128x128xf32, #tpu.memory_space<vmem>>)
      "tpu.region"() ({
        %run_scoped3A = tpu.sem_alloc : memref<!tpu.dma_semaphore, #tpu.memory_space<semaphore_mem>>
        %dma_start3A_108 = arith.constant 0 : i32
        %dma_start3A_109 = tpu.memref_slice %arg7[%add3A_92, %dma_start3A_108] : memref<40x128xi32, #tpu.memory_space<vmem>> -> memref<1x128xi32, #tpu.memory_space<vmem>>
        %dma_start3A_110 = tpu.memref_squeeze %dma_start3A_109 : memref<1x128xi32, #tpu.memory_space<vmem>> -> memref<128xi32, #tpu.memory_space<vmem>>
        %dma_start3A_111 = arith.constant 0 : i32
        %dma_start3A_112 = arith.constant 0 : i32
        %dma_start3A_113 = tpu.memref_slice %arg10[%dma_start3A_111, %dma_start3A_112] : memref<10112x128xf32, #tpu.memory_space<vmem_shared>> -> memref<10112x128xf32, #tpu.memory_space<vmem_shared>>
        tpu.enqueue_indirect_dma source(%arg9 : memref<128x128xf32, #tpu.memory_space<vmem>>) target(%dma_start3A_113 : memref<10112x128xf32, #tpu.memory_space<vmem_shared>>) offsets(%dma_start3A_110 : memref<128xi32, #tpu.memory_space<vmem>>) semaphore(%run_scoped3A : memref<!tpu.dma_semaphore, #tpu.memory_space<semaphore_mem>>) {add = true}
        %dma_wait3A_114 = arith.constant 0 : i32
        %dma_wait3A_115 = tpu.memref_slice %arg7[%add3A_92, %dma_wait3A_114] : memref<40x128xi32, #tpu.memory_space<vmem>> -> memref<1x128xi32, #tpu.memory_space<vmem>>
        %dma_wait3A_116 = tpu.memref_squeeze %dma_wait3A_115 : memref<1x128xi32, #tpu.memory_space<vmem>> -> memref<128xi32, #tpu.memory_space<vmem>>
        %dma_wait3A_117 = arith.constant 0 : i32
        %dma_wait3A_118 = arith.constant 0 : i32
        %dma_wait3A_119 = tpu.memref_slice %arg10[%dma_wait3A_117, %dma_wait3A_118] : memref<10112x128xf32, #tpu.memory_space<vmem_shared>> -> memref<10112x128xf32, #tpu.memory_space<vmem_shared>>
        tpu.wait_indirect_dma semaphore(%run_scoped3A : memref<!tpu.dma_semaphore, #tpu.memory_space<semaphore_mem>>) src(%arg9 : memref<128x128xf32, #tpu.memory_space<vmem>>) dst(%dma_wait3A_119 : memref<10112x128xf32, #tpu.memory_space<vmem_shared>>)
        tpu.yield
      }) : () -> ()
      %add3A_101 = arith.constant 2 : i32
      %add3A_102 = arith.addi %add3A_94, %add3A_101 : i32
      %lt3A_103 = arith.constant 80 : i32
      %lt3A_104 = arith.cmpi slt, %add3A_102, %lt3A_103 : i32
      %convert_element_type3A_105 = arith.extui %lt3A_104 : i1 to i32
      %cond3A_106 = arith.constant 0 : i32
      %cond3A_107 = arith.cmpi ne, %convert_element_type3A_105, %cond3A_106 : i32
      scf.if %cond3A_107 {
        %add3A_108 = arith.constant 2 : i32
        %add3A_109 = arith.addi %add3A_94, %add3A_108 : i32
        %dma_start3A_110 = arith.constant 0 : i32
        %dma_start3A_111 = tpu.memref_slice %arg6[%add3A_109, %dma_start3A_110] : memref<80x128xi32, #tpu.memory_space<vmem>> -> memref<1x128xi32, #tpu.memory_space<vmem>>
        %dma_start3A_112 = tpu.memref_squeeze %dma_start3A_111 : memref<1x128xi32, #tpu.memory_space<vmem>> -> memref<128xi32, #tpu.memory_space<vmem>>
        %dma_start3A_113 = arith.constant 0 : i32
        %dma_start3A_114 = arith.constant 0 : i32
        %dma_start3A_115 = tpu.memref_slice %arg2[%dma_start3A_113, %dma_start3A_114] : memref<10000x128xf32, #tpu.memory_space<hbm>> -> memref<10000x128xf32, #tpu.memory_space<hbm>>
        tpu.enqueue_indirect_dma source(%dma_start3A_115 : memref<10000x128xf32, #tpu.memory_space<hbm>>) target(%arg9 : memref<128x128xf32, #tpu.memory_space<vmem>>) offsets(%dma_start3A_112 : memref<128xi32, #tpu.memory_space<vmem>>) semaphore(%arg12 : memref<!tpu.dma_semaphore, #tpu.memory_space<semaphore_mem>>)
      } else {
      }
    }
    %scan3A_60 = arith.constant 20 : i32
    %mul3A_61 = arith.constant 80 : i32
    %mul3A_62 = arith.muli %add3A, %mul3A_61 : i32
    %add3A_63 = arith.constant 40 : i32
    %add3A_64 = arith.addi %mul3A_62, %add3A_63 : i32
    "tpu.region"() ({
      %run_scoped3A = tpu.sem_alloc : memref<!tpu.dma_semaphore, #tpu.memory_space<semaphore_mem>>
      %dma_start3A_72 = arith.constant 0 : i32
      %dma_start3A_73 = tpu.memref_slice %arg4[%add3A_64, %dma_start3A_72] : memref<2560x128xi32, #tpu.memory_space<hbm>> -> memref<40x128xi32, #tpu.memory_space<hbm>>
      %dma_start3A_74 = arith.constant 0 : i32
      %dma_start3A_75 = tpu.memref_slice %arg4[%add3A_64, %dma_start3A_74] : memref<2560x128xi32, #tpu.memory_space<hbm>> -> memref<40x128xi32, #tpu.memory_space<hbm>>
      tpu.enqueue_dma source(%dma_start3A_75 : memref<40x128xi32, #tpu.memory_space<hbm>>) target(%arg7 : memref<40x128xi32, #tpu.memory_space<vmem>>) target_semaphore(%run_scoped3A : memref<!tpu.dma_semaphore, #tpu.memory_space<semaphore_mem>>)
      %dma_wait3A_76 = arith.constant 0 : i32
      %dma_wait3A_77 = tpu.memref_slice %arg4[%add3A_64, %dma_wait3A_76] : memref<2560x128xi32, #tpu.memory_space<hbm>> -> memref<40x128xi32, #tpu.memory_space<hbm>>
      %dma_wait3A_78 = arith.constant 0 : i32
      %dma_wait3A_79 = tpu.memref_slice %arg4[%add3A_64, %dma_wait3A_78] : memref<2560x128xi32, #tpu.memory_space<hbm>> -> memref<40x128xi32, #tpu.memory_space<hbm>>
      tpu.wait_dma2 semaphore(%run_scoped3A : memref<!tpu.dma_semaphore, #tpu.memory_space<semaphore_mem>>) src(%dma_wait3A_79 : memref<40x128xi32, #tpu.memory_space<hbm>>) dst(%arg7 : memref<40x128xi32, #tpu.memory_space<vmem>>)
      tpu.yield
    }) : () -> ()
    %scan3A_65 = arith.constant 0 : i32
    %scan3A_66 = arith.constant 0 : i32
    %scan3A_67 = arith.constant 20 : i32
    %scan3A_68 = arith.addi %scan3A_66, %scan3A_67 : i32
    %scan3A_69 = arith.constant 1 : i32
    scf.for %scan3A_72 = %scan3A_66 to %scan3A_68 step %scan3A_69  : i32 {
      %mul3A_73 = arith.constant 2 : i32
      %mul3A_74 = arith.muli %mul3A_73, %scan3A_72 : i32
      %add3A_75 = arith.constant 0 : i32
      %add3A_76 = arith.addi %mul3A_74, %add3A_75 : i32
      %add3A_77 = arith.constant 40 : i32
      %add3A_78 = arith.addi %add3A_77, %add3A_76 : i32
      %dma_wait3A_79 = arith.constant 0 : i32
      %dma_wait3A_80 = tpu.memref_slice %arg6[%add3A_78, %dma_wait3A_79] : memref<80x128xi32, #tpu.memory_space<vmem>> -> memref<1x128xi32, #tpu.memory_space<vmem>>
      %dma_wait3A_81 = tpu.memref_squeeze %dma_wait3A_80 : memref<1x128xi32, #tpu.memory_space<vmem>> -> memref<128xi32, #tpu.memory_space<vmem>>
      %dma_wait3A_82 = arith.constant 0 : i32
      %dma_wait3A_83 = arith.constant 0 : i32
      %dma_wait3A_84 = tpu.memref_slice %arg2[%dma_wait3A_82, %dma_wait3A_83] : memref<10000x128xf32, #tpu.memory_space<hbm>> -> memref<10000x128xf32, #tpu.memory_space<hbm>>
      tpu.wait_indirect_dma semaphore(%arg11 : memref<!tpu.dma_semaphore, #tpu.memory_space<semaphore_mem>>) src(%dma_wait3A_84 : memref<10000x128xf32, #tpu.memory_space<hbm>>) dst(%arg8 : memref<128x128xf32, #tpu.memory_space<vmem>>)
      "tpu.region"() ({
        %run_scoped3A = tpu.sem_alloc : memref<!tpu.dma_semaphore, #tpu.memory_space<semaphore_mem>>
        %dma_start3A_108 = arith.constant 0 : i32
        %dma_start3A_109 = tpu.memref_slice %arg7[%add3A_76, %dma_start3A_108] : memref<40x128xi32, #tpu.memory_space<vmem>> -> memref<1x128xi32, #tpu.memory_space<vmem>>
        %dma_start3A_110 = tpu.memref_squeeze %dma_start3A_109 : memref<1x128xi32, #tpu.memory_space<vmem>> -> memref<128xi32, #tpu.memory_space<vmem>>
        %dma_start3A_111 = arith.constant 0 : i32
        %dma_start3A_112 = arith.constant 0 : i32
        %dma_start3A_113 = tpu.memref_slice %arg10[%dma_start3A_111, %dma_start3A_112] : memref<10112x128xf32, #tpu.memory_space<vmem_shared>> -> memref<10112x128xf32, #tpu.memory_space<vmem_shared>>
        tpu.enqueue_indirect_dma source(%arg8 : memref<128x128xf32, #tpu.memory_space<vmem>>) target(%dma_start3A_113 : memref<10112x128xf32, #tpu.memory_space<vmem_shared>>) offsets(%dma_start3A_110 : memref<128xi32, #tpu.memory_space<vmem>>) semaphore(%run_scoped3A : memref<!tpu.dma_semaphore, #tpu.memory_space<semaphore_mem>>) {add = true}
        %dma_wait3A_114 = arith.constant 0 : i32
        %dma_wait3A_115 = tpu.memref_slice %arg7[%add3A_76, %dma_wait3A_114] : memref<40x128xi32, #tpu.memory_space<vmem>> -> memref<1x128xi32, #tpu.memory_space<vmem>>
        %dma_wait3A_116 = tpu.memref_squeeze %dma_wait3A_115 : memref<1x128xi32, #tpu.memory_space<vmem>> -> memref<128xi32, #tpu.memory_space<vmem>>
        %dma_wait3A_117 = arith.constant 0 : i32
        %dma_wait3A_118 = arith.constant 0 : i32
        %dma_wait3A_119 = tpu.memref_slice %arg10[%dma_wait3A_117, %dma_wait3A_118] : memref<10112x128xf32, #tpu.memory_space<vmem_shared>> -> memref<10112x128xf32, #tpu.memory_space<vmem_shared>>
        tpu.wait_indirect_dma semaphore(%run_scoped3A : memref<!tpu.dma_semaphore, #tpu.memory_space<semaphore_mem>>) src(%arg8 : memref<128x128xf32, #tpu.memory_space<vmem>>) dst(%dma_wait3A_119 : memref<10112x128xf32, #tpu.memory_space<vmem_shared>>)
        tpu.yield
      }) : () -> ()
      %add3A_85 = arith.constant 2 : i32
      %add3A_86 = arith.addi %add3A_78, %add3A_85 : i32
      %lt3A = arith.constant 80 : i32
      %lt3A_87 = arith.cmpi slt, %add3A_86, %lt3A : i32
      %convert_element_type3A = arith.extui %lt3A_87 : i1 to i32
      %cond3A = arith.constant 0 : i32
      %cond3A_88 = arith.cmpi ne, %convert_element_type3A, %cond3A : i32
      scf.if %cond3A_88 {
        %add3A_108 = arith.constant 2 : i32
        %add3A_109 = arith.addi %add3A_78, %add3A_108 : i32
        %dma_start3A_110 = arith.constant 0 : i32
        %dma_start3A_111 = tpu.memref_slice %arg6[%add3A_109, %dma_start3A_110] : memref<80x128xi32, #tpu.memory_space<vmem>> -> memref<1x128xi32, #tpu.memory_space<vmem>>
        %dma_start3A_112 = tpu.memref_squeeze %dma_start3A_111 : memref<1x128xi32, #tpu.memory_space<vmem>> -> memref<128xi32, #tpu.memory_space<vmem>>
        %dma_start3A_113 = arith.constant 0 : i32
        %dma_start3A_114 = arith.constant 0 : i32
        %dma_start3A_115 = tpu.memref_slice %arg2[%dma_start3A_113, %dma_start3A_114] : memref<10000x128xf32, #tpu.memory_space<hbm>> -> memref<10000x128xf32, #tpu.memory_space<hbm>>
        tpu.enqueue_indirect_dma source(%dma_start3A_115 : memref<10000x128xf32, #tpu.memory_space<hbm>>) target(%arg8 : memref<128x128xf32, #tpu.memory_space<vmem>>) offsets(%dma_start3A_112 : memref<128xi32, #tpu.memory_space<vmem>>) semaphore(%arg11 : memref<!tpu.dma_semaphore, #tpu.memory_space<semaphore_mem>>)
      } else {
      }
      %mul3A_89 = arith.constant 2 : i32
      %mul3A_90 = arith.muli %mul3A_89, %scan3A_72 : i32
      %add3A_91 = arith.constant 1 : i32
      %add3A_92 = arith.addi %mul3A_90, %add3A_91 : i32
      %add3A_93 = arith.constant 40 : i32
      %add3A_94 = arith.addi %add3A_93, %add3A_92 : i32
      %dma_wait3A_95 = arith.constant 0 : i32
      %dma_wait3A_96 = tpu.memref_slice %arg6[%add3A_94, %dma_wait3A_95] : memref<80x128xi32, #tpu.memory_space<vmem>> -> memref<1x128xi32, #tpu.memory_space<vmem>>
      %dma_wait3A_97 = tpu.memref_squeeze %dma_wait3A_96 : memref<1x128xi32, #tpu.memory_space<vmem>> -> memref<128xi32, #tpu.memory_space<vmem>>
      %dma_wait3A_98 = arith.constant 0 : i32
      %dma_wait3A_99 = arith.constant 0 : i32
      %dma_wait3A_100 = tpu.memref_slice %arg2[%dma_wait3A_98, %dma_wait3A_99] : memref<10000x128xf32, #tpu.memory_space<hbm>> -> memref<10000x128xf32, #tpu.memory_space<hbm>>
      tpu.wait_indirect_dma semaphore(%arg12 : memref<!tpu.dma_semaphore, #tpu.memory_space<semaphore_mem>>) src(%dma_wait3A_100 : memref<10000x128xf32, #tpu.memory_space<hbm>>) dst(%arg9 : memref<128x128xf32, #tpu.memory_space<vmem>>)
      "tpu.region"() ({
        %run_scoped3A = tpu.sem_alloc : memref<!tpu.dma_semaphore, #tpu.memory_space<semaphore_mem>>
        %dma_start3A_108 = arith.constant 0 : i32
        %dma_start3A_109 = tpu.memref_slice %arg7[%add3A_92, %dma_start3A_108] : memref<40x128xi32, #tpu.memory_space<vmem>> -> memref<1x128xi32, #tpu.memory_space<vmem>>
        %dma_start3A_110 = tpu.memref_squeeze %dma_start3A_109 : memref<1x128xi32, #tpu.memory_space<vmem>> -> memref<128xi32, #tpu.memory_space<vmem>>
        %dma_start3A_111 = arith.constant 0 : i32
        %dma_start3A_112 = arith.constant 0 : i32
        %dma_start3A_113 = tpu.memref_slice %arg10[%dma_start3A_111, %dma_start3A_112] : memref<10112x128xf32, #tpu.memory_space<vmem_shared>> -> memref<10112x128xf32, #tpu.memory_space<vmem_shared>>
        tpu.enqueue_indirect_dma source(%arg9 : memref<128x128xf32, #tpu.memory_space<vmem>>) target(%dma_start3A_113 : memref<10112x128xf32, #tpu.memory_space<vmem_shared>>) offsets(%dma_start3A_110 : memref<128xi32, #tpu.memory_space<vmem>>) semaphore(%run_scoped3A : memref<!tpu.dma_semaphore, #tpu.memory_space<semaphore_mem>>) {add = true}
        %dma_wait3A_114 = arith.constant 0 : i32
        %dma_wait3A_115 = tpu.memref_slice %arg7[%add3A_92, %dma_wait3A_114] : memref<40x128xi32, #tpu.memory_space<vmem>> -> memref<1x128xi32, #tpu.memory_space<vmem>>
        %dma_wait3A_116 = tpu.memref_squeeze %dma_wait3A_115 : memref<1x128xi32, #tpu.memory_space<vmem>> -> memref<128xi32, #tpu.memory_space<vmem>>
        %dma_wait3A_117 = arith.constant 0 : i32
        %dma_wait3A_118 = arith.constant 0 : i32
        %dma_wait3A_119 = tpu.memref_slice %arg10[%dma_wait3A_117, %dma_wait3A_118] : memref<10112x128xf32, #tpu.memory_space<vmem_shared>> -> memref<10112x128xf32, #tpu.memory_space<vmem_shared>>
        tpu.wait_indirect_dma semaphore(%run_scoped3A : memref<!tpu.dma_semaphore, #tpu.memory_space<semaphore_mem>>) src(%arg9 : memref<128x128xf32, #tpu.memory_space<vmem>>) dst(%dma_wait3A_119 : memref<10112x128xf32, #tpu.memory_space<vmem_shared>>)
        tpu.yield
      }) : () -> ()
      %add3A_101 = arith.constant 2 : i32
      %add3A_102 = arith.addi %add3A_94, %add3A_101 : i32
      %lt3A_103 = arith.constant 80 : i32
      %lt3A_104 = arith.cmpi slt, %add3A_102, %lt3A_103 : i32
      %convert_element_type3A_105 = arith.extui %lt3A_104 : i1 to i32
      %cond3A_106 = arith.constant 0 : i32
      %cond3A_107 = arith.cmpi ne, %convert_element_type3A_105, %cond3A_106 : i32
      scf.if %cond3A_107 {
        %add3A_108 = arith.constant 2 : i32
        %add3A_109 = arith.addi %add3A_94, %add3A_108 : i32
        %dma_start3A_110 = arith.constant 0 : i32
        %dma_start3A_111 = tpu.memref_slice %arg6[%add3A_109, %dma_start3A_110] : memref<80x128xi32, #tpu.memory_space<vmem>> -> memref<1x128xi32, #tpu.memory_space<vmem>>
        %dma_start3A_112 = tpu.memref_squeeze %dma_start3A_111 : memref<1x128xi32, #tpu.memory_space<vmem>> -> memref<128xi32, #tpu.memory_space<vmem>>
        %dma_start3A_113 = arith.constant 0 : i32
        %dma_start3A_114 = arith.constant 0 : i32
        %dma_start3A_115 = tpu.memref_slice %arg2[%dma_start3A_113, %dma_start3A_114] : memref<10000x128xf32, #tpu.memory_space<hbm>> -> memref<10000x128xf32, #tpu.memory_space<hbm>>
        tpu.enqueue_indirect_dma source(%dma_start3A_115 : memref<10000x128xf32, #tpu.memory_space<hbm>>) target(%arg9 : memref<128x128xf32, #tpu.memory_space<vmem>>) offsets(%dma_start3A_112 : memref<128xi32, #tpu.memory_space<vmem>>) semaphore(%arg12 : memref<!tpu.dma_semaphore, #tpu.memory_space<semaphore_mem>>)
      } else {
      }
    }
    %scan3A_70 = arith.constant 20 : i32
    %barrier3A_71 = arith.constant 0 : index
    tpu.barrier barrier_id(%barrier3A_71)
    "tpu.region"() ({
      %run_scoped3A = tpu.sem_alloc : memref<!tpu.dma_semaphore, #tpu.memory_space<semaphore_mem>>
      %dma_start3A_72 = arith.constant 0 : i32
      %dma_start3A_73 = tpu.memref_slice %arg5[%arg0, %mul3A_2, %dma_start3A_72] : memref<2x10112x128xf32, #tpu.memory_space<hbm>> -> memref<1x632x128xf32, #tpu.memory_space<hbm>>
      %dma_start3A_74 = tpu.memref_squeeze %dma_start3A_73 : memref<1x632x128xf32, #tpu.memory_space<hbm>> -> memref<632x128xf32, #tpu.memory_space<hbm>>
      %dma_start3A_75 = arith.constant 0 : i32
      %dma_start3A_76 = tpu.memref_slice %arg10[%mul3A_2, %dma_start3A_75] : memref<10112x128xf32, #tpu.memory_space<vmem_shared>> -> memref<632x128xf32, #tpu.memory_space<vmem_shared>>
      tpu.enqueue_dma source(%dma_start3A_76 : memref<632x128xf32, #tpu.memory_space<vmem_shared>>) target(%dma_start3A_74 : memref<632x128xf32, #tpu.memory_space<hbm>>) target_semaphore(%run_scoped3A : memref<!tpu.dma_semaphore, #tpu.memory_space<semaphore_mem>>)
      %dma_wait3A_77 = arith.constant 0 : i32
      %dma_wait3A_78 = tpu.memref_slice %arg5[%arg0, %mul3A_2, %dma_wait3A_77] : memref<2x10112x128xf32, #tpu.memory_space<hbm>> -> memref<1x632x128xf32, #tpu.memory_space<hbm>>
      %dma_wait3A_79 = tpu.memref_squeeze %dma_wait3A_78 : memref<1x632x128xf32, #tpu.memory_space<hbm>> -> memref<632x128xf32, #tpu.memory_space<hbm>>
      %dma_wait3A_80 = arith.constant 0 : i32
      %dma_wait3A_81 = tpu.memref_slice %arg10[%mul3A_2, %dma_wait3A_80] : memref<10112x128xf32, #tpu.memory_space<vmem_shared>> -> memref<632x128xf32, #tpu.memory_space<vmem_shared>>
      tpu.wait_dma2 semaphore(%run_scoped3A : memref<!tpu.dma_semaphore, #tpu.memory_space<semaphore_mem>>) src(%dma_wait3A_81 : memref<632x128xf32, #tpu.memory_space<vmem_shared>>) dst(%dma_wait3A_79 : memref<632x128xf32, #tpu.memory_space<hbm>>)
      tpu.yield
    }) : () -> ()
    return
  }
}

module attributes {stable_mosaic.version = 14 : i64} {
  func.func @body(%arg0: i32, %arg1: memref<1x2000x128xf32, #tpu.memory_space<vmem>>, %arg2: memref<1x2000x128xf32, #tpu.memory_space<vmem>>, %arg3: memref<2000x128xf32, #tpu.memory_space<vmem>>, %arg4: memref<128x128xf32, #tpu.memory_space<vmem>>, %arg5: memref<1x128xf32, #tpu.memory_space<vmem>>, %arg6: memref<128x128xf32, #tpu.memory_space<vmem>>, %arg7: memref<2000x128xf32, #tpu.memory_space<vmem>>) attributes {dimension_semantics = [#tpu.dimension_semantics<arbitrary>], iteration_bounds = array<i64: 5>, scalar_prefetch = 0 : i64, scratch_operands = 0 : i64, tpu.core_type = #tpu.core_type<tc>, window_params = [{transform_indices = @transform_0, window_bounds = array<i64: 1, 2000, 128>}, {transform_indices = @transform_1, window_bounds = array<i64: 1, 2000, 128>}, {transform_indices = @transform_2, window_bounds = array<i64: 2000, 128>}, {pipeline_mode = #tpu.pipeline_mode<synchronous>, transform_indices = @transform_3, window_bounds = array<i64: 128, 128>}, {pipeline_mode = #tpu.pipeline_mode<synchronous>, transform_indices = @transform_4, window_bounds = array<i64: 1, 128>}, {pipeline_mode = #tpu.pipeline_mode<synchronous>, transform_indices = @transform_5, window_bounds = array<i64: 128, 128>}, {transform_indices = @transform_6, window_bounds = array<i64: 2000, 128>}]} {
    %get3A = arith.constant 0 : index
    %get3A_0 = arith.constant 0 : index
    %get3A_1 = arith.constant 0 : index
    %get3A_2 = vector.load %arg1[%get3A, %get3A_0, %get3A_1] : memref<1x2000x128xf32, #tpu.memory_space<vmem>>, vector<1x2000x128xf32>
    %get3A_3 = vector.shape_cast %get3A_2 : vector<1x2000x128xf32> to vector<2000x128xf32>
    %get3A_4 = arith.constant 0 : index
    %get3A_5 = arith.constant 0 : index
    %get3A_6 = arith.constant 0 : index
    %get3A_7 = vector.load %arg2[%get3A_4, %get3A_5, %get3A_6] : memref<1x2000x128xf32, #tpu.memory_space<vmem>>, vector<1x2000x128xf32>
    %get3A_8 = vector.shape_cast %get3A_7 : vector<1x2000x128xf32> to vector<2000x128xf32>
    %add3A = arith.addf %get3A_3, %get3A_8 : vector<2000x128xf32>
    %get3A_9 = arith.constant 0 : index
    %get3A_10 = arith.constant 0 : index
    %get3A_11 = vector.load %arg4[%get3A_9, %get3A_10] : memref<128x128xf32, #tpu.memory_space<vmem>>, vector<128x128xf32>
    %dot_general3A = arith.constant dense<0.000000e+00> : vector<2000x128xf32>
    %dot_general3A_12 = tpu.matmul %add3A, %get3A_11, %dot_general3A {dimension_numbers = #tpu.dot_dimension_numbers<[1], [0], [0], [1], [0, 0, 1, 1], [], []>, transpose_lhs_hint = false} : vector<2000x128xf32>, vector<128x128xf32>, vector<2000x128xf32> -> vector<2000x128xf32>
    %get3A_13 = arith.constant 0 : index
    %get3A_14 = arith.constant 0 : index
    %get3A_15 = vector.load %arg3[%get3A_13, %get3A_14] : memref<2000x128xf32, #tpu.memory_space<vmem>>, vector<2000x128xf32>
    %get3A_16 = arith.constant 0 : index
    %get3A_17 = arith.constant 0 : index
    %get3A_18 = vector.load %arg6[%get3A_16, %get3A_17] : memref<128x128xf32, #tpu.memory_space<vmem>>, vector<128x128xf32>
    %dot_general3A_19 = arith.constant dense<0.000000e+00> : vector<2000x128xf32>
    %dot_general3A_20 = tpu.matmul %get3A_15, %get3A_18, %dot_general3A_19 {dimension_numbers = #tpu.dot_dimension_numbers<[1], [0], [0], [1], [0, 0, 1, 1], [], []>, transpose_lhs_hint = false} : vector<2000x128xf32>, vector<128x128xf32>, vector<2000x128xf32> -> vector<2000x128xf32>
    %add3A_21 = arith.addf %dot_general3A_12, %dot_general3A_20 : vector<2000x128xf32>
    %get3A_22 = arith.constant 0 : index
    %get3A_23 = arith.constant 0 : index
    %get3A_24 = vector.load %arg5[%get3A_22, %get3A_23] : memref<1x128xf32, #tpu.memory_space<vmem>>, vector<1x128xf32>
    %add3A_25 = vector.broadcast %get3A_24 : vector<1x128xf32> to vector<2000x128xf32>
    %add3A_26 = arith.addf %add3A_21, %add3A_25 : vector<2000x128xf32>
    %max3A = arith.constant 0.000000e+00 : f32
    %max3A_27 = vector.broadcast %max3A : f32 to vector<2000x128xf32>
    %max3A_28 = arith.maximumf %add3A_26, %max3A_27 : vector<2000x128xf32>
    %swap3A = arith.constant 0 : index
    %swap3A_29 = arith.constant 0 : index
    %swap3A_30 = vector.load %arg7[%swap3A, %swap3A_29] : memref<2000x128xf32, #tpu.memory_space<vmem>>, vector<2000x128xf32>
    tpu.vector_store %arg7[%swap3A, %swap3A_29], %max3A_28 {strides = array<i32>} : memref<2000x128xf32, #tpu.memory_space<vmem>>, vector<2000x128xf32>,
    return
  }
  func.func @transform_0(%arg0: i32) -> (i32, i32, i32) {
    %c0_i32 = arith.constant 0 : i32
    %c0_i32_0 = arith.constant 0 : i32
    %c0_i32_1 = arith.constant 0 : i32
    return %c0_i32, %arg0, %c0_i32_0 : i32, i32, i32
  }
  func.func @transform_1(%arg0: i32) -> (i32, i32, i32) {
    %c1_i32 = arith.constant 1 : i32
    %c0_i32 = arith.constant 0 : i32
    %c0_i32_0 = arith.constant 0 : i32
    return %c1_i32, %arg0, %c0_i32 : i32, i32, i32
  }
  func.func @transform_2(%arg0: i32) -> (i32, i32) {
    %c0_i32 = arith.constant 0 : i32
    %c0_i32_0 = arith.constant 0 : i32
    return %arg0, %c0_i32 : i32, i32
  }
  func.func @transform_3(%arg0: i32) -> (i32, i32) {
    %c0_i32 = arith.constant 0 : i32
    %c0_i32_0 = arith.constant 0 : i32
    %c0_i32_1 = arith.constant 0 : i32
    return %c0_i32, %c0_i32_0 : i32, i32
  }
  func.func @transform_4(%arg0: i32) -> (i32, i32) {
    %c0_i32 = arith.constant 0 : i32
    %c0_i32_0 = arith.constant 0 : i32
    %c0_i32_1 = arith.constant 0 : i32
    return %c0_i32, %c0_i32_0 : i32, i32
  }
  func.func @transform_5(%arg0: i32) -> (i32, i32) {
    %c0_i32 = arith.constant 0 : i32
    %c0_i32_0 = arith.constant 0 : i32
    %c0_i32_1 = arith.constant 0 : i32
    return %c0_i32, %c0_i32_0 : i32, i32
  }
  func.func @transform_6(%arg0: i32) -> (i32, i32) {
    %c0_i32 = arith.constant 0 : i32
    %c0_i32_0 = arith.constant 0 : i32
    return %arg0, %c0_i32 : i32, i32
  }
}

module attributes {stable_mosaic.version = 14 : i64} {
  func.func @body(%arg0: i32, %arg1: memref<1x2000x128xf32, #tpu.memory_space<vmem>>, %arg2: memref<1x2000x128xf32, #tpu.memory_space<vmem>>, %arg3: memref<2000x128xf32, #tpu.memory_space<vmem>>, %arg4: memref<128x128xf32, #tpu.memory_space<vmem>>, %arg5: memref<1x128xf32, #tpu.memory_space<vmem>>, %arg6: memref<128x128xf32, #tpu.memory_space<vmem>>, %arg7: memref<2000x128xf32, #tpu.memory_space<vmem>>) attributes {dimension_semantics = [#tpu.dimension_semantics<arbitrary>], iteration_bounds = array<i64: 5>, scalar_prefetch = 0 : i64, scratch_operands = 0 : i64, tpu.core_type = #tpu.core_type<tc>, window_params = [{transform_indices = @transform_0, window_bounds = array<i64: 1, 2000, 128>}, {transform_indices = @transform_1, window_bounds = array<i64: 1, 2000, 128>}, {transform_indices = @transform_2, window_bounds = array<i64: 2000, 128>}, {pipeline_mode = #tpu.pipeline_mode<synchronous>, transform_indices = @transform_3, window_bounds = array<i64: 128, 128>}, {pipeline_mode = #tpu.pipeline_mode<synchronous>, transform_indices = @transform_4, window_bounds = array<i64: 1, 128>}, {pipeline_mode = #tpu.pipeline_mode<synchronous>, transform_indices = @transform_5, window_bounds = array<i64: 128, 128>}, {transform_indices = @transform_6, window_bounds = array<i64: 2000, 128>}]} {
    %get3A = arith.constant 0 : index
    %get3A_0 = arith.constant 0 : index
    %get3A_1 = arith.constant 0 : index
    %get3A_2 = vector.load %arg1[%get3A, %get3A_0, %get3A_1] : memref<1x2000x128xf32, #tpu.memory_space<vmem>>, vector<1x2000x128xf32>
    %get3A_3 = vector.shape_cast %get3A_2 : vector<1x2000x128xf32> to vector<2000x128xf32>
    %get3A_4 = arith.constant 0 : index
    %get3A_5 = arith.constant 0 : index
    %get3A_6 = arith.constant 0 : index
    %get3A_7 = vector.load %arg2[%get3A_4, %get3A_5, %get3A_6] : memref<1x2000x128xf32, #tpu.memory_space<vmem>>, vector<1x2000x128xf32>
    %get3A_8 = vector.shape_cast %get3A_7 : vector<1x2000x128xf32> to vector<2000x128xf32>
    %add3A = arith.addf %get3A_3, %get3A_8 : vector<2000x128xf32>
    %get3A_9 = arith.constant 0 : index
    %get3A_10 = arith.constant 0 : index
    %get3A_11 = vector.load %arg4[%get3A_9, %get3A_10] : memref<128x128xf32, #tpu.memory_space<vmem>>, vector<128x128xf32>
    %dot_general3A = arith.constant dense<0.000000e+00> : vector<2000x128xf32>
    %dot_general3A_12 = tpu.matmul %add3A, %get3A_11, %dot_general3A {dimension_numbers = #tpu.dot_dimension_numbers<[1], [0], [0], [1], [0, 0, 1, 1], [], []>, transpose_lhs_hint = false} : vector<2000x128xf32>, vector<128x128xf32>, vector<2000x128xf32> -> vector<2000x128xf32>
    %get3A_13 = arith.constant 0 : index
    %get3A_14 = arith.constant 0 : index
    %get3A_15 = vector.load %arg3[%get3A_13, %get3A_14] : memref<2000x128xf32, #tpu.memory_space<vmem>>, vector<2000x128xf32>
    %get3A_16 = arith.constant 0 : index
    %get3A_17 = arith.constant 0 : index
    %get3A_18 = vector.load %arg6[%get3A_16, %get3A_17] : memref<128x128xf32, #tpu.memory_space<vmem>>, vector<128x128xf32>
    %dot_general3A_19 = arith.constant dense<0.000000e+00> : vector<2000x128xf32>
    %dot_general3A_20 = tpu.matmul %get3A_15, %get3A_18, %dot_general3A_19 {dimension_numbers = #tpu.dot_dimension_numbers<[1], [0], [0], [1], [0, 0, 1, 1], [], []>, transpose_lhs_hint = false} : vector<2000x128xf32>, vector<128x128xf32>, vector<2000x128xf32> -> vector<2000x128xf32>
    %add3A_21 = arith.addf %dot_general3A_12, %dot_general3A_20 : vector<2000x128xf32>
    %get3A_22 = arith.constant 0 : index
    %get3A_23 = arith.constant 0 : index
    %get3A_24 = vector.load %arg5[%get3A_22, %get3A_23] : memref<1x128xf32, #tpu.memory_space<vmem>>, vector<1x128xf32>
    %add3A_25 = vector.broadcast %get3A_24 : vector<1x128xf32> to vector<2000x128xf32>
    %add3A_26 = arith.addf %add3A_21, %add3A_25 : vector<2000x128xf32>
    %swap3A = arith.constant 0 : index
    %swap3A_27 = arith.constant 0 : index
    %swap3A_28 = vector.load %arg7[%swap3A, %swap3A_27] : memref<2000x128xf32, #tpu.memory_space<vmem>>, vector<2000x128xf32>
    tpu.vector_store %arg7[%swap3A, %swap3A_27], %add3A_26 {strides = array<i32>} : memref<2000x128xf32, #tpu.memory_space<vmem>>, vector<2000x128xf32>,
    return
  }
  func.func @transform_0(%arg0: i32) -> (i32, i32, i32) {
    %c0_i32 = arith.constant 0 : i32
    %c0_i32_0 = arith.constant 0 : i32
    %c0_i32_1 = arith.constant 0 : i32
    return %c0_i32, %arg0, %c0_i32_0 : i32, i32, i32
  }
  func.func @transform_1(%arg0: i32) -> (i32, i32, i32) {
    %c1_i32 = arith.constant 1 : i32
    %c0_i32 = arith.constant 0 : i32
    %c0_i32_0 = arith.constant 0 : i32
    return %c1_i32, %arg0, %c0_i32 : i32, i32, i32
  }
  func.func @transform_2(%arg0: i32) -> (i32, i32) {
    %c0_i32 = arith.constant 0 : i32
    %c0_i32_0 = arith.constant 0 : i32
    return %arg0, %c0_i32 : i32, i32
  }
  func.func @transform_3(%arg0: i32) -> (i32, i32) {
    %c0_i32 = arith.constant 0 : i32
    %c0_i32_0 = arith.constant 0 : i32
    %c0_i32_1 = arith.constant 0 : i32
    return %c0_i32, %c0_i32_0 : i32, i32
  }
  func.func @transform_4(%arg0: i32) -> (i32, i32) {
    %c0_i32 = arith.constant 0 : i32
    %c0_i32_0 = arith.constant 0 : i32
    %c0_i32_1 = arith.constant 0 : i32
    return %c0_i32, %c0_i32_0 : i32, i32
  }
  func.func @transform_5(%arg0: i32) -> (i32, i32) {
    %c0_i32 = arith.constant 0 : i32
    %c0_i32_0 = arith.constant 0 : i32
    %c0_i32_1 = arith.constant 0 : i32
    return %c0_i32, %c0_i32_0 : i32, i32
  }
  func.func @transform_6(%arg0: i32) -> (i32, i32) {
    %c0_i32 = arith.constant 0 : i32
    %c0_i32_0 = arith.constant 0 : i32
    return %arg0, %c0_i32 : i32, i32
  }
}

</mosaic_0001>

<sc_bundles>
// kernel: kernel.6.cloned.1.call-start
scs
__scs_entry_jumppad:
0x0: {  	(pc) =	sbr.rel $0x88, $3  }
0x1: {  	(tag) =	ssettag $0x0;
	lr =	simm.s32 $0x1  }
0x2: {  	[smem:$0x3F99] =	sst lr;
	_ =	strace $0xD0000000  }
0x3: {  	_ = 	snop  }
0x4: {  	_ = 	snop  }
0x5: {  	_ = 	snop  }
0x6: {  	_ = 	snop  }
0x7: {  	_ = 	snop  }
__scs_overlays_trampoline_lowered:
0x8: {  	[smem:$0x3FA8] =	sst s0  }
0x9: {  	[smem:$0x3FA9] =	sst s1  }
0xa: {  	[smem:$0x3FAA] =	sst s2  }
0xb: {  	[smem:$0x3FAB] =	sst s3  }
0xc: {  	[smem:$0x3FAC] =	sst s4  }
0xd: {  	[smem:$0x3FAD] =	sst s5  }
0xe: {  	[smem:$0x3FAE] =	sst s6  }
0xf: {  	[smem:$0x3FAF] =	sst s7  }
0x10: {  	[smem:$0x3FB0] =	sst s8  }
0x11: {  	[smem:$0x3FB1] =	sst s9;
	s0 =	simm.s32 @!p0 $0x0  }
0x12: {  	s1 =	sld [smem:$0x3F97];
	s0 =	simm.s32 @p0 $0x1  }
0x13: {  	[smem:$0x3FB2] =	sst s0;
	s0 =	simm.s32 @!p1 $0x0  }
0x14: {  	s2 =	sld [smem:$0x3F96];
	s0 =	simm.s32 @p1 $0x1  }
0x15: {  	[smem:$0x3FB3] =	sst s0;
	s0 =	simm.s32 @!p2 $0x0  }
0x16: {  	s3 =	sld [smem:$0x3FDB];
	s0 =	simm.s32 @p2 $0x1  }
0x17: {  	s4 =	simm.s32 $0x1BF5;
	[smem:$0x3FB5] =	sst s0  }
0x18: {  	s0 =	sld [smem:$0x3F98];
	_ =	swait.ge [sflag:s4], $0x0  }
0x19: {  	s7 =	sld [smem:$0x3F99]  }
0x1a: {  	s8 =	sadd.s32 $0xFFFFE003, lr  }
0x1b: {  	s9 =	sadd.s32 $0xFFFFFEF7, lr;
	s5 =	simm.s32 $0xFFFFFFFF;
	p2 =	slt.u32 s8, $0xFFFFF086  }
0x1c: {  	p1 =	slt.u32 s9, $0xF7A;
	s5 =	simm.s32 @!p2 $0x0  }
0x1d: {  	s5 =	simm.s32 @p1 $0x1;
	p0 =	seq.s32 s7, s2  }
0x1e: {  	s7 =	smul.u32 @!p0 $0xF7A, s2;
	p2 =	seq.s32 @!p0 s5, $0x0  }
0x1f: {  	s9 =	smul.u32 $0xF7A, s1;
	s8 =	simm.s32 @!p0 $0x1BF5;
	p2 =	por !p2, p0  }
0x20: {  	[sflag:s8] =	ssyncset.s32 @!p0 $0xFFFFF086;
	s6 =	sadd.s32 @!p0 s3, s7;
	s7 =	simm.s32 @!p0 $0x108  }
0x21: {  	s3 =	sadd.s32 s3, s9;
	s6 =	sadd.s32 @!p0 $0x88, s6;
	s7 =	simm.s32 @p2 $0x1082  }
0x22: {  	[simem:s7], [sflag:s8] =	dma.local @!p0 [hbm:s6], $0xF7A  }
0x23: {  	s9 =	sor.u32 $0xD0000000, s2;
	s6 =	simm.s32 $0x108;
	_ =	swait.ge @!p0 [sflag:s8], $0x0  }
0x24: {  	s3 =	sadd.s32 $0x88, s3;
	s6 =	simm.s32 @!p1 $0x1082;
	[sflag:s4] =	ssyncset.s32 $0xFFFFF086  }
0x25: {  	[simem:s6], [sflag:s4] =	dma.local [hbm:s3], $0xF7A  }
0x26: {  	[smem:$0x3F99] =	sst s1;
	(tag) =	ssettag s2;
	_ =	strace s9  }
0x27: {  	s1 =	sld [smem:$0x3FA9]  }
0x28: {  	s2 =	sld [smem:$0x3FAA]  }
0x29: {  	s4 =	sld [smem:$0x3FAC]  }
0x2a: {  	p0 =	seq.s32 s5, $0x0;
	s5 =	sld [smem:$0x3FAD]  }
0x2b: {  	s6 =	sld [smem:$0x3FAE]  }
0x2c: {  	s7 =	sld [smem:$0x3FAF]  }
0x2d: {  	s3 =	simm.s32 $0x108;
	s8 =	sld [smem:$0x3FB0]  }
0x2e: {  	s3 =	simm.s32 @!p0 $0x1082;
	s9 =	sld [smem:$0x3FB1]  }
0x2f: {  	lr =	sadd.s32 s0, s3;
	s0 =	sld [smem:$0x3FA8]  }
0x30: {  	s3 =	sld [smem:$0x3FAB]  }
0x31: {  	[smem:$0x3FB4] =	sst s10  }
0x32: {  	s10 =	sld [smem:$0x3FB2];
	_ =	sdelay $0x3  }
0x33: {  	p0 =	seq.s32 s10, $0x1;
	s10 =	sld [smem:$0x3FB4];
	_ =	sdelay $0x3  }
0x34: {  	[smem:$0x3FB4] =	sst s10  }
0x35: {  	s10 =	sld [smem:$0x3FB3];
	_ =	sdelay $0x3  }
0x36: {  	p1 =	seq.s32 s10, $0x1;
	s10 =	sld [smem:$0x3FB4];
	_ =	sdelay $0x3  }
0x37: {  	[smem:$0x3FB4] =	sst s10  }
0x38: {  	s10 =	sld [smem:$0x3FB5]  }
0x39: {  	_ = 	snop;
	(pc) =	sbr.ind lr, $3  }
0x3a: {  	_ = 	snop  }
0x3b: {  	_ = 	snop  }
0x3c: {  	p2 =	seq.s32 s10, $0x1;
	s10 =	sld [smem:$0x3FB4]  }
0x3d: {  	_ =	shalt  }
0x3e: {  	_ =	shalt  }
0x3f: {  	_ =	shalt  }
0x40: {  	_ =	shalt  }
0x41: {  	_ =	shalt  }
0x42: {  	_ =	shalt  }
0x43: {  	_ =	shalt  }
0x44: {  	_ =	shalt  }
0x45: {  	_ =	shalt  }
0x46: {  	_ =	shalt  }
0x47: {  	_ =	shalt  }
0x48: {  	_ =	shalt  }
0x49: {  	_ =	shalt  }
0x4a: {  	_ =	shalt  }
0x4b: {  	_ =	shalt  }
0x4c: {  	_ =	shalt  }
0x4d: {  	_ =	shalt  }
0x4e: {  	_ =	shalt  }
0x4f: {  	_ =	shalt  }
0x50: {  	_ =	shalt  }
0x51: {  	_ =	shalt  }
0x52: {  	_ =	shalt  }
0x53: {  	_ =	shalt  }
0x54: {  	_ =	shalt  }
0x55: {  	_ =	shalt  }
0x56: {  	_ =	shalt  }
0x57: {  	_ =	shalt  }
0x58: {  	_ =	shalt  }
0x59: {  	_ =	shalt  }
0x5a: {  	_ =	shalt  }
0x5b: {  	_ =	shalt  }
0x5c: {  	_ =	shalt  }
0x5d: {  	_ =	shalt  }
0x5e: {  	_ =	shalt  }
0x5f: {  	_ =	shalt  }
0x60: {  	_ =	shalt  }
0x61: {  	_ =	shalt  }
0x62: {  	_ =	shalt  }
0x63: {  	_ =	shalt  }
0x64: {  	_ =	shalt  }
0x65: {  	_ =	shalt  }
0x66: {  	_ =	shalt  }
0x67: {  	_ =	shalt  }
0x68: {  	_ =	shalt  }
0x69: {  	_ =	shalt  }
0x6a: {  	_ =	shalt  }
0x6b: {  	_ =	shalt  }
0x6c: {  	_ =	shalt  }
0x6d: {  	_ =	shalt  }
0x6e: {  	_ =	shalt  }
0x6f: {  	_ =	shalt  }
0x70: {  	_ =	shalt  }
0x71: {  	_ =	shalt  }
0x72: {  	_ =	shalt  }
0x73: {  	_ =	shalt  }
0x74: {  	_ =	shalt  }
0x75: {  	_ =	shalt  }
0x76: {  	_ =	shalt  }
0x77: {  	_ =	shalt  }
0x78: {  	_ =	shalt  }
0x79: {  	_ =	shalt  }
0x7a: {  	_ =	shalt  }
0x7b: {  	_ =	shalt  }
0x7c: {  	_ =	shalt  }
0x7d: {  	_ =	shalt  }
0x7e: {  	_ =	shalt  }
0x7f: {  	_ =	shalt  }
0x80: {  	_ =	shalt  }
0x81: {  	_ =	shalt  }
0x82: {  	_ =	shalt  }
0x83: {  	_ =	shalt  }
0x84: {  	_ =	shalt  }
0x85: {  	_ =	shalt  }
0x86: {  	_ =	shalt  }
0x87: {  	_ =	shalt  }
.Lfunc_end0:
.L_simem_size_0:
called_computation_lowered:
.L_overlay_start_0:
0x88: {  	s2 =	sld [smem:$0x3FD9]  }
0x89: {  	s3 =	sld [smem:$0x3FFE];
	_ =	sdelay $0x1  }
0x8a: {  	s1 =	srdreg.scid  }
0x8b: {  	s0 =	sand.u32 $0x1, s1  }
0x8c: {  	s17 =	sshll.u32 s0, $0xA;
	s2 =	sadd.s32 s3, s2  }
0x8d: {  	s2 =	sadd.s32 s2, s17  }
0x8e: {  	[smem:$0x3FC0] =	sst s2  }
0x8f: {  	_ = 	snop  }
0x90: {  	s2 =	sld [smem:$0x3FC9];
	(tm) =	ssettm $0x1  }
0x91: {  	s18 =	sld [smem:$0x3FFB];
	_ =	sdelay $0x3  }
0x92: {  	_ =	strace s18  }
0x93: {  	s3 =	sld [smem:$0x3FFC];
	_ =	sdelay $0x3  }
0x94: {  	_ =	strace s3  }
0x95: {  	s3 =	sld [smem:$0x3FFD];
	_ =	sdelay $0x3  }
0x96: {  	_ =	strace s3  }
0x97: {  	_ =	strace $0x8FFFFFFF  }
0x98: {  	s19 =	sld [smem:$0x3FDB];
	_ =	sdelay $0x1  }
0x99: {  	s4 =	simm.s32 $_scs_section_size  }
0x9a: {  	s5 =	simm.s32 $_size__tile_overlayer_lowered;
	s6 =	simm.s32 $_tile_overlayer_lowered  }
0x9b: {  	s22 =	simm.s32 $0x1BFF;
	s21 =	sshll.u32 s6, $0x1;
	s3 =	sadd.s32 s4, s19  }
0x9c: {  	s7 =	simm.s32 $0x0;
	s20 =	sshll.u32 s5, $0x1;
	s5 =	sadd.s32 s21, s3  }
0x9d: {  	[timem:s7], [sflag:s22] =	dma.local [hbm:s5], s20  }
0x9e: {  	_ =	swait.ge [sflag:s22], s20  }
0x9f: {  	s4 =	ssub.s32 $0x0, s20;
	[sflag:s22] =	ssyncset.done $0x0  }
0xa0: {  	[sflag:s22] =	ssyncadd.s32 s4;
	_ =	sdelay $0x1  }
0xa1: {  	s23 =	simm.s32 $0x1B8B  }
0xa2: {  	_ =	swait.ge [sflag:s23], $0x1  }
0xa3: {  	[sflag:s23] =	ssyncset.done $0x0  }
0xa4: {  	s25 =	simm.s32 $0x1B8E;
	s24 =	sld [smem:$0x3FFE];
	[sflag:s23] =	ssyncadd.s32 $0xFFFFFFFF  }
0xa5: {  	s26 =	simm.s32 $execute0_lowered;
	[smem:$0x3FD2] =	sst s25  }
0xa6: {  	s5 =	sshll.u32 s26, $0x1;
	_ =	strace $0x80000046;
	[dreg:$0x1] =	wrdreg $0xFFFFFFFF  }
0xa7: {  	s28 =	simm.s32 $_size_execute0_lowered;
	s3 =	sadd.s32 s3, s5;
	[dreg:$0x0] =	wrdreg $0x0  }
0xa8: {  	s5 =	sshll.u32 s28, $0x1;
	[dreg:$0x2] =	wrdreg s3  }
0xa9: {  	[dreg:$0x3] =	wrdreg s5  }
0xaa: {  	[dreg:$0x4] =	wrdreg $0xC0  }
0xab: {  	_ =	task [dreg:s7], $0x5FFFF  }
0xac: {  	[dreg:$0x1] =	wrdreg $0xFFFFFFFF  }
0xad: {  	[dreg:$0x0] =	wrdreg $0x60  }
0xae: {  	[dreg:$0x2] =	wrdreg s2  }
0xaf: {  	[dreg:$0x3] =	wrdreg s24  }
0xb0: {  	[dreg:$0x4] =	wrdreg $0xBC000  }
0xb1: {  	[dreg:$0x5] =	wrdreg $0x9  }
0xb2: {  	_ =	task.clear_ibuf [dreg:s7], $0x6FFFF;
	_ =	strace $0x90000046  }
0xb3: {  	s29 =	simm.s32 $0x9;
	_ =	strace $0x80000048  }
0xb4: {  	_ =	swait.ge [sflag:s29], $0x1  }
0xb5: {  	[sflag:s29] =	ssyncadd.s32 $0xFFFFFFFF  }
0xb6: {  	_ =	strace $0x90000048  }
0xb7: {  	_ =	sfence  }
0xb8: {  	s30 =	sld [smem:$0x0];
	_ =	sdelay $0x2  }
0xb9: {  	s31 =	sshll.u32 s1, $0xD;
	s1 =	sshrl.u32 s1, $0x2  }
0xba: {  	s3 =	sand.u32 $0x4000, s31;
	s1 =	sadd.s32 s1, s30  }
0xbb: {  	s0 =	sor.u32 s3, s0;
	s1 =	sshll.u32 s1, $0x11  }
0xbc: {  	s0 =	sor.u32 s1, s0  }
0xbd: {  	s0 =	sadd.s32 $0x8F2B, s0  }
0xbe: {  	[sflag:s0] =	ssyncadd.remote.s32 $0x1  }
0xbf: {  	_ =	sfence.sel $0xFFFF  }
0xc0: {  	[dreg:$0x0] =	wrdreg $0xFFFFFFFF;
	(pc) =	sbr.abs _section_cstart, $3  }
0xc1: {  	[dreg:$0x1] =	wrdreg $0xFFFFFFFF  }
0xc2: {  	_ =	task.clear_ibuf [dreg:s7], $0x2FFFF;
	_ =	strace $0x9FFFFFFF  }
0xc3: {  	(tm) =	ssettm $0x7FFFFFFF  }
tec
execute0_lowered:
.L_overlay_start_1:
0x0: {  	(tag) =	ssettag $0x1  }
0x1: {  	s2 =	rddreg [dreg:$0x0]  }
0x2: {  	s5 =	rddreg [dreg:$0x1]  }
0x3: {  	s0 =	srdreg.scid;
	s3 =	rddreg [dreg:$0x2]  }
0x4: {  	s1 =	stileid.u32;
	s4 =	simm.s32 $0x0;
	s15 =	simm.s32 $0x2800  }
0x5: {  	s16 =	simm.s32 $0x7C00;
	s17 =	simm.s32 $0x4;
	s18 =	simm.s32 $0x3  }
0x6: {  	s19 =	simm.s32 $0x80;
	s20 =	simm.s32 $0x3C00;
	s21 =	simm.s32 $0x1  }
0x7: {  	s22 =	simm.s32 $0x2;
	s23 =	simm.s32 $0x3B00;
	s24 =	simm.s32 $0x3B80  }
0x8: {  	s25 =	simm.s32 $0x0;
	s6 =	sand.u32 $0x1, s0;
	s9 =	smul.u32 $0x13C00, s1  }
0x9: {  	s0 =	rddreg [dreg:$0x3];
	s7 =	sshll.u32 s1, $0x1;
	s11 =	smul.u32 $0x4F000, s1  }
0xa: {  	[smem:$0x7FF] =	sst s4;
	s12 =	sadd.s32 $0xBE00, s5;
	s8 =	smul.u32 $0x13C000, s6  }
0xb: {  	s7 =	sor.u32 s6, s7;
	_ =	strace $0x80000047;
	s29 =	ssub.s32 $0x2, s6  }
0xc: {  	s10 =	smul.u32 $0x500, s7;
	s6 =	sshrl.u32 s29, $0x1;
	s30 =	sshrl.u32 s11, $0x2  }
0xd: {  	s31 =	smul.u32 $0x2800, s7;
	s8 =	sadd.s32 s9, s8;
	s14 =	ssub.s32 s29, s6  }
0xe: {  	s6 =	sadd.s32 s30, s3;
	s28 =	sadd.s32 s10, s5;
	s8 =	sshrl.u32 s8, $0x3  }
0xf: {  	s7 =	sadd.s32 s12, s10;
	s11 =	sshrl.u32 s31, $0x3;
	s9 =	sadd.s32 $0x8000, s6  }
0x10: {  	s10 =	sadd.s32 $0xC000, s6;
	s14 =	smax.u32 s14, $0x1;
	s13 =	sadd.s32 s8, s5  }
0x11: {  	s5 =	sadd.s32 $0x1E00, s28;
	s8 =	sadd.s32 $0x4000, s6;
	s12 =	sadd.s32 s12, s11  }
0x12: {  	v0 =	vimm.f32 $0.0e+00;
	s11 =	sadd.s32 $0x10000, s6;
	s12 =	sadd.s32 $0x280, s12;
	s13 =	sadd.s32 $0x15E00, s13  }
.LBB2_1:
0x13: {  	[tilespmem:s4], [sflag:$0x3] =	stream.linear.gather [hbm4b:s5+s4], $0x2800, $0x38;
	[tilespmem:$0x1F800] =	vst v63  }
0x14: {  	s26 =	simm.s32 $0x0;
	s28 =	simm.s32 $0x200  }
0x15: {  	[tilespmem:s15], [sflag:$0x3] =	stream.linear.gather [hbm4b:s7+s4], $0x1400, $0x38;
	[tilespmem:$0x1F800] =	vst v63  }
.LBB2_2:
0x16: {  	p0 =	sne.s32 s28, $0xFE00;
	[tilespmem:s26+$0x7C70] =	vst v0  }
0x17: {  	[tilespmem:s26+$0x7C00] =	vst v0  }
0x18: {  	[tilespmem:s26+$0x7C10] =	vst v0  }
.Ltmp0:
0x19: {  	[tilespmem:s26+$0x7C20] =	vst v0;
	(pc) =	sbr.rel @p0 .LBB2_2-.Ltmp0, $4  }
0x1a: {  	[tilespmem:s26+$0x7C30] =	vst v0  }
0x1b: {  	[tilespmem:s26+$0x7C40] =	vst v0  }
0x1c: {  	[tilespmem:s26+$0x7C50] =	vst v0  }
0x1d: {  	[tilespmem:s26+$0x7C60] =	vst v0;
	s26 =	sshra.s32 s28, $0x2;
	s28 =	sadd.s32 $0x200, s28  }
0x1e: {  	[tilespmem:s26+$0x7C70] =	vst v0  }
0x1f: {  	[tilespmem:s26+$0x7C00] =	vst v0  }
0x20: {  	[tilespmem:s26+$0x7C10] =	vst v0  }
0x21: {  	[tilespmem:s26+$0x7C20] =	vst v0  }
0x22: {  	[tilespmem:s26+$0x7C30] =	vst v0  }
0x23: {  	[tilespmem:s26+$0x7C40] =	vst v0  }
0x24: {  	[tilespmem:s26+$0x7C50] =	vst v0  }
0x25: {  	[tilespmem:s26+$0x7C60] =	vst v0  }
0x26: {  	[spmem:s6] =	stream.linear.scatter [tilespmem:s16], [sflag:$0x4], $0x4000, $0x38;
	[tilespmem:$0x1F800] =	vst v63  }
0x27: {  	_ =	swait.ge [sflag:s17], $0x4000  }
0x28: {  	[sflag:s17] =	ssyncset.done $0x0  }
0x29: {  	[sflag:s17] =	ssyncadd.s32 $0xFFFFC000  }
0x2a: {  	[spmem:s8] =	stream.linear.scatter [tilespmem:s16], [sflag:$0x4], $0x4000, $0x38;
	[tilespmem:$0x1F800] =	vst v63  }
0x2b: {  	_ =	swait.ge [sflag:s17], $0x4000  }
0x2c: {  	[sflag:s17] =	ssyncset.done $0x0  }
0x2d: {  	[sflag:s17] =	ssyncadd.s32 $0xFFFFC000  }
0x2e: {  	[spmem:s9] =	stream.linear.scatter [tilespmem:s16], [sflag:$0x4], $0x4000, $0x38;
	[tilespmem:$0x1F800] =	vst v63  }
0x2f: {  	_ =	swait.ge [sflag:s17], $0x4000  }
0x30: {  	[sflag:s17] =	ssyncset.done $0x0  }
0x31: {  	[sflag:s17] =	ssyncadd.s32 $0xFFFFC000  }
0x32: {  	[spmem:s10] =	stream.linear.scatter [tilespmem:s16], [sflag:$0x4], $0x4000, $0x38;
	[tilespmem:$0x1F800] =	vst v63  }
0x33: {  	_ =	swait.ge [sflag:s17], $0x4000  }
0x34: {  	[sflag:s17] =	ssyncset.done $0x0  }
0x35: {  	[sflag:s17] =	ssyncadd.s32 $0xFFFFC000  }
0x36: {  	[spmem:s11] =	stream.linear.scatter [tilespmem:s16], [sflag:$0x4], $0x3C00, $0x38;
	[tilespmem:$0x1F800] =	vst v63  }
0x37: {  	_ =	swait.ge [sflag:s17], $0x3C00  }
0x38: {  	[sflag:s17] =	ssyncset.done $0x0  }
0x39: {  	[sflag:s17] =	ssyncadd.s32 $0xFFFFC400  }
0x3a: {  	_ =	swait.ge [sflag:s18], $0x2800  }
0x3b: {  	[sflag:s18] =	ssyncset.done $0x0  }
0x3c: {  	[sflag:s18] =	ssyncadd.s32 $0xFFFFD800  }
0x3d: {  	_ =	swait.ge [sflag:s18], $0x1400  }
0x3e: {  	[sflag:s18] =	ssyncset.done $0x0  }
0x3f: {  	s31 =	simm.s32 $0x0;
	[sflag:s18] =	ssyncadd.s32 $0xFFFFEC00  }
0x40: {  	[tilespmem:s20], [sflag:$0x1] =	stream.indirect.gather [hbm4b:s2+s19], $0x80, s31, s19, $0xb8;
	[tilespmem:$0x1F800] =	vst v63  }
0x41: {  	_ = 	snop  }
0x42: {  	[tilespmem:s16], [sflag:$0x2] =	stream.indirect.gather [hbm4b:s2+s19], $0x80, s19, s19, $0xb8;
	[tilespmem:$0x1F800] =	vst v63  }
0x43: {  	[bflag:$0x0] =	sbarrier.arrive $0xFFFF  }
0x44: {  	_ =	swait.ge [sflag:s21], $0x4000  }
0x45: {  	[sflag:s21] =	ssyncset.done $0x0  }
0x46: {  	s29 =	simm.s32 $0x2800;
	[sflag:s21] =	ssyncadd.s32 $0xFFFFC000  }
0x47: {  	[spmem:s3] =	stream.indirect.scatter.add.f32 [tilespmem:s20], [sflag:$0x4], $0x80, s29, s19, $0xb8;
	[tilespmem:$0x1F800] =	vst v63  }
0x48: {  	_ =	swait.ge [sflag:s17], $0x4000  }
0x49: {  	[sflag:s17] =	ssyncset.done $0x0  }
0x4a: {  	s30 =	simm.s32 $0x100;
	[sflag:s17] =	ssyncadd.s32 $0xFFFFC000  }
0x4b: {  	[tilespmem:s20], [sflag:$0x1] =	stream.indirect.gather [hbm4b:s2+s19], $0x80, s30, s19, $0xb8;
	[tilespmem:$0x1F800] =	vst v63  }
0x4c: {  	_ =	swait.ge [sflag:s22], $0x4000  }
0x4d: {  	[sflag:s22] =	ssyncset.done $0x0  }
0x4e: {  	s31 =	simm.s32 $0x2880;
	[sflag:s22] =	ssyncadd.s32 $0xFFFFC000  }
0x4f: {  	[spmem:s3] =	stream.indirect.scatter.add.f32 [tilespmem:s16], [sflag:$0x4], $0x80, s31, s19, $0xb8;
	[tilespmem:$0x1F800] =	vst v63  }
0x50: {  	_ =	swait.ge [sflag:s17], $0x4000  }
0x51: {  	[sflag:s17] =	ssyncset.done $0x0  }
0x52: {  	s26 =	simm.s32 $0x400;
	s28 =	simm.s32 $0x180;
	[sflag:s17] =	ssyncadd.s32 $0xFFFFC000  }
.LBB2_4:
0x53: {  	[tilespmem:s16], [sflag:$0x2] =	stream.indirect.gather [hbm4b:s2+s19], $0x80, s28, s19, $0xb8;
	[tilespmem:$0x1F800] =	vst v63  }
0x54: {  	s28 =	smov.u32 s26  }
0x55: {  	p0 =	sne.s32 s26, $0x4C00;
	s26 =	sadd.s32 $0x400, s26;
	_ =	swait.ge [sflag:s21], $0x4000  }
0x56: {  	s28 =	sshra.s32 s28, $0x2;
	[sflag:s21] =	ssyncset.done $0x0  }
0x57: {  	s29 =	sadd.s32 $0x2800, s28;
	[sflag:s21] =	ssyncadd.s32 $0xFFFFC000  }
0x58: {  	[spmem:s3] =	stream.indirect.scatter.add.f32 [tilespmem:s20], [sflag:$0x4], $0x80, s29, s19, $0xb8;
	[tilespmem:$0x1F800] =	vst v63  }
0x59: {  	_ =	swait.ge [sflag:s17], $0x4000  }
0x5a: {  	[sflag:s17] =	ssyncset.done $0x0  }
0x5b: {  	s29 =	sadd.s32 $0x100, s28;
	[sflag:s17] =	ssyncadd.s32 $0xFFFFC000  }
0x5c: {  	[tilespmem:s20], [sflag:$0x1] =	stream.indirect.gather [hbm4b:s2+s19], $0x80, s29, s19, $0xb8;
	[tilespmem:$0x1F800] =	vst v63  }
0x5d: {  	_ =	swait.ge [sflag:s22], $0x4000  }
0x5e: {  	[sflag:s22] =	ssyncset.done $0x0  }
.Ltmp1:
0x5f: {  	s29 =	sadd.s32 $0x2880, s28;
	[sflag:s22] =	ssyncadd.s32 $0xFFFFC000;
	(pc) =	sbr.rel @p0 .LBB2_4-.Ltmp1, $4  }
0x60: {  	[spmem:s3] =	stream.indirect.scatter.add.f32 [tilespmem:s16], [sflag:$0x4], $0x80, s29, s19, $0xb8;
	[tilespmem:$0x1F800] =	vst v63  }
0x61: {  	_ =	swait.ge [sflag:s17], $0x4000  }
0x62: {  	[sflag:s17] =	ssyncset.done $0x0  }
0x63: {  	s28 =	sadd.s32 $0x180, s28;
	[sflag:s17] =	ssyncadd.s32 $0xFFFFC000  }
0x64: {  	[tilespmem:s16], [sflag:$0x2] =	stream.indirect.gather [hbm4b:s2+s19], $0x80, s28, s19, $0xb8;
	[tilespmem:$0x1F800] =	vst v63  }
0x65: {  	s26 =	simm.s32 $0x0  }
0x66: {  	[tilespmem:s15], [sflag:$0x4] =	stream.linear.gather [hbm4b:s12+s26], $0x1400, $0x38;
	[tilespmem:$0x1F800] =	vst v63  }
0x67: {  	_ =	swait.ge [sflag:s17], $0x1400  }
0x68: {  	[sflag:s17] =	ssyncset.done $0x0  }
0x69: {  	[sflag:s17] =	ssyncadd.s32 $0xFFFFEC00  }
0x6a: {  	_ =	swait.ge [sflag:s21], $0x4000  }
0x6b: {  	[sflag:s21] =	ssyncset.done $0x0  }
0x6c: {  	s29 =	simm.s32 $0x2800;
	[sflag:s21] =	ssyncadd.s32 $0xFFFFC000  }
0x6d: {  	[spmem:s3] =	stream.indirect.scatter.add.f32 [tilespmem:s20], [sflag:$0x4], $0x80, s29, s19, $0xb8;
	[tilespmem:$0x1F800] =	vst v63  }
0x6e: {  	_ =	swait.ge [sflag:s17], $0x4000  }
0x6f: {  	[sflag:s17] =	ssyncset.done $0x0  }
0x70: {  	s30 =	simm.s32 $0x1500;
	[sflag:s17] =	ssyncadd.s32 $0xFFFFC000  }
0x71: {  	[tilespmem:s20], [sflag:$0x1] =	stream.indirect.gather [hbm4b:s2+s19], $0x80, s30, s19, $0xb8;
	[tilespmem:$0x1F800] =	vst v63  }
0x72: {  	_ =	swait.ge [sflag:s22], $0x4000  }
0x73: {  	[sflag:s22] =	ssyncset.done $0x0  }
0x74: {  	s31 =	simm.s32 $0x2880;
	[sflag:s22] =	ssyncadd.s32 $0xFFFFC000  }
0x75: {  	[spmem:s3] =	stream.indirect.scatter.add.f32 [tilespmem:s16], [sflag:$0x4], $0x80, s31, s19, $0xb8;
	[tilespmem:$0x1F800] =	vst v63  }
0x76: {  	_ =	swait.ge [sflag:s17], $0x4000  }
0x77: {  	[sflag:s17] =	ssyncset.done $0x0  }
0x78: {  	s28 =	simm.s32 $0x1580;
	s26 =	simm.s32 $0x400;
	[sflag:s17] =	ssyncadd.s32 $0xFFFFC000  }
.LBB2_6:
0x79: {  	[tilespmem:s16], [sflag:$0x2] =	stream.indirect.gather [hbm4b:s2+s19], $0x80, s28, s19, $0xb8;
	[tilespmem:$0x1F800] =	vst v63  }
0x7a: {  	s28 =	smov.u32 s26  }
0x7b: {  	p0 =	sne.s32 s26, $0x4800;
	s26 =	sadd.s32 $0x400, s26;
	_ =	swait.ge [sflag:s21], $0x4000  }
0x7c: {  	s28 =	sshra.s32 s28, $0x2;
	[sflag:s21] =	ssyncset.done $0x0  }
0x7d: {  	s29 =	sadd.s32 $0x2800, s28;
	[sflag:s21] =	ssyncadd.s32 $0xFFFFC000  }
0x7e: {  	[spmem:s3] =	stream.indirect.scatter.add.f32 [tilespmem:s20], [sflag:$0x4], $0x80, s29, s19, $0xb8;
	[tilespmem:$0x1F800] =	vst v63  }
0x7f: {  	_ =	swait.ge [sflag:s17], $0x4000  }
0x80: {  	[sflag:s17] =	ssyncset.done $0x0  }
0x81: {  	s29 =	sadd.s32 $0x1500, s28;
	[sflag:s17] =	ssyncadd.s32 $0xFFFFC000  }
0x82: {  	[tilespmem:s20], [sflag:$0x1] =	stream.indirect.gather [hbm4b:s2+s19], $0x80, s29, s19, $0xb8;
	[tilespmem:$0x1F800] =	vst v63  }
0x83: {  	_ =	swait.ge [sflag:s22], $0x4000  }
0x84: {  	[sflag:s22] =	ssyncset.done $0x0  }
.Ltmp2:
0x85: {  	s29 =	sadd.s32 $0x2880, s28;
	[sflag:s22] =	ssyncadd.s32 $0xFFFFC000;
	(pc) =	sbr.rel @p0 .LBB2_6-.Ltmp2, $4  }
0x86: {  	[spmem:s3] =	stream.indirect.scatter.add.f32 [tilespmem:s16], [sflag:$0x4], $0x80, s29, s19, $0xb8;
	[tilespmem:$0x1F800] =	vst v63  }
0x87: {  	_ =	swait.ge [sflag:s17], $0x4000  }
0x88: {  	[sflag:s17] =	ssyncset.done $0x0  }
0x89: {  	s28 =	sadd.s32 $0x1580, s28;
	[sflag:s17] =	ssyncadd.s32 $0xFFFFC000  }
0x8a: {  	[tilespmem:s16], [sflag:$0x2] =	stream.indirect.gather [hbm4b:s2+s19], $0x80, s28, s19, $0xb8;
	[tilespmem:$0x1F800] =	vst v63  }
0x8b: {  	_ =	swait.ge [sflag:s21], $0x4000  }
0x8c: {  	[sflag:s21] =	ssyncset.done $0x0  }
0x8d: {  	[sflag:s21] =	ssyncadd.s32 $0xFFFFC000  }
0x8e: {  	[spmem:s3] =	stream.indirect.scatter.add.f32 [tilespmem:s20], [sflag:$0x4], $0x80, s23, s19, $0xb8;
	[tilespmem:$0x1F800] =	vst v63  }
0x8f: {  	_ =	swait.ge [sflag:s17], $0x4000  }
0x90: {  	[sflag:s17] =	ssyncset.done $0x0  }
0x91: {  	[sflag:s17] =	ssyncadd.s32 $0xFFFFC000  }
0x92: {  	_ =	swait.ge [sflag:s22], $0x4000  }
0x93: {  	[sflag:s22] =	ssyncset.done $0x0  }
0x94: {  	[sflag:s22] =	ssyncadd.s32 $0xFFFFC000  }
0x95: {  	[spmem:s3] =	stream.indirect.scatter.add.f32 [tilespmem:s16], [sflag:$0x4], $0x80, s24, s19, $0xb8;
	[tilespmem:$0x1F800] =	vst v63  }
0x96: {  	_ =	swait.ge [sflag:s17], $0x4000  }
0x97: {  	s26 =	sshll.u32 s1, $0x6;
	s25 =	sadd.s32 $0x1, s25;
	[sflag:s17] =	ssyncset.done $0x0  }
0x98: {  	s31 =	sshrl.u32 s6, $0x3;
	p0 =	sne.s32 s25, s14;
	[sflag:s17] =	ssyncadd.s32 $0xFFFFC000  }
.Ltmp3:
0x99: {  	s26 =	sor.u32 $0x1C04, s26;
	[bflag:$0x0] =	sbarrier.arrive $0xFFFF;
	(pc) =	sbr.rel @p0 .LBB2_1-.Ltmp3, $4  }
0x9a: {  	[hbm:s13], [sflag:s26] =	dma.local [spmem:s31], $0x2780  }
0x9b: {  	_ =	swait.ge [sflag:s17], $0x2780  }
0x9c: {  	[sflag:s17] =	ssyncset.done $0x0  }
0x9d: {  	[sflag:s17] =	ssyncadd.s32 $0xFFFFD880  }
0x9e: {  	_ =	sfence.sel $0x180000  }
0x9f: {  	[bflag:$0x0] =	sbarrier.arrive $0xFFFF  }
0xa0: {  	p0 =	sne.s32 s1, $0x0;
	_ =	strace $0x90000047  }
0xa1: {  	s0 =	sadd.s32 @!p0 $0x100000, s0;
	[bflag:$0x2] =	sbarrier.arrive $0xFFFF  }
0xa2: {  	[sflag:s0] =	ssyncadd.tile.s32 @!p0 $0x1;
	_ =	shalt  }
.Lfunc_end2:
_tile_overlayer_lowered:
.L_overlay_start_2:
0xa3: {  	(tag) =	ssettag $0x2  }
0xa4: {  	s0 =	rddreg [dreg:$0x0];
	s2 =	stileid.u32  }
0xa5: {  	s1 =	rddreg [dreg:$0x1];
	p0 =	sne.s32 s2, $0x0  }
0xa6: {  	s3 =	rddreg [dreg:$0x2];
	[bflag:$0x3] =	sbarrier.arrive $0xFFFF;
	s2 =	simm.s32 @!p0 $0x1C04  }
0xa7: {  	[timem:s3], [sflag:s2] =	dma.local @!p0 [hbm:s0], s1  }
0xa8: {  	s0 =	simm.s32 @!p0 $0x4  }
0xa9: {  	_ =	swait.ge @!p0 [sflag:s0], s1  }
0xaa: {  	s1 =	ssub.s32 @!p0 $0x0, s1;
	[sflag:s0] =	ssyncset.done @!p0 $0x0  }
0xab: {  	[sflag:s0] =	ssyncadd.s32 @!p0 s1  }
0xac: {  	[bflag:$0x3] =	sbarrier.arrive $0xFFFF  }
0xad: {  	_ =	shalt  }

// kernel: kernel.9.cloned.1.call-start
scs
__scs_entry_jumppad:
0x0: {  	(pc) =	sbr.rel $0x88, $3  }
0x1: {  	(tag) =	ssettag $0x0;
	lr =	simm.s32 $0x1  }
0x2: {  	[smem:$0x3F99] =	sst lr;
	_ =	strace $0xD0000000  }
0x3: {  	_ = 	snop  }
0x4: {  	_ = 	snop  }
0x5: {  	_ = 	snop  }
0x6: {  	_ = 	snop  }
0x7: {  	_ = 	snop  }
__scs_overlays_trampoline_lowered:
0x8: {  	[smem:$0x3FA8] =	sst s0  }
0x9: {  	[smem:$0x3FA9] =	sst s1  }
0xa: {  	[smem:$0x3FAA] =	sst s2  }
0xb: {  	[smem:$0x3FAB] =	sst s3  }
0xc: {  	[smem:$0x3FAC] =	sst s4  }
0xd: {  	[smem:$0x3FAD] =	sst s5  }
0xe: {  	[smem:$0x3FAE] =	sst s6  }
0xf: {  	[smem:$0x3FAF] =	sst s7  }
0x10: {  	[smem:$0x3FB0] =	sst s8  }
0x11: {  	[smem:$0x3FB1] =	sst s9;
	s0 =	simm.s32 @!p0 $0x0  }
0x12: {  	s1 =	sld [smem:$0x3F97];
	s0 =	simm.s32 @p0 $0x1  }
0x13: {  	[smem:$0x3FB2] =	sst s0;
	s0 =	simm.s32 @!p1 $0x0  }
0x14: {  	s2 =	sld [smem:$0x3F96];
	s0 =	simm.s32 @p1 $0x1  }
0x15: {  	[smem:$0x3FB3] =	sst s0;
	s0 =	simm.s32 @!p2 $0x0  }
0x16: {  	s3 =	sld [smem:$0x3FDB];
	s0 =	simm.s32 @p2 $0x1  }
0x17: {  	s4 =	simm.s32 $0x1BF5;
	[smem:$0x3FB5] =	sst s0  }
0x18: {  	s0 =	sld [smem:$0x3F98];
	_ =	swait.ge [sflag:s4], $0x0  }
0x19: {  	s7 =	sld [smem:$0x3F99]  }
0x1a: {  	s8 =	sadd.s32 $0xFFFFE003, lr  }
0x1b: {  	s9 =	sadd.s32 $0xFFFFFEF7, lr;
	s5 =	simm.s32 $0xFFFFFFFF;
	p2 =	slt.u32 s8, $0xFFFFF086  }
0x1c: {  	p1 =	slt.u32 s9, $0xF7A;
	s5 =	simm.s32 @!p2 $0x0  }
0x1d: {  	s5 =	simm.s32 @p1 $0x1;
	p0 =	seq.s32 s7, s2  }
0x1e: {  	s7 =	smul.u32 @!p0 $0xF7A, s2;
	p2 =	seq.s32 @!p0 s5, $0x0  }
0x1f: {  	s9 =	smul.u32 $0xF7A, s1;
	s8 =	simm.s32 @!p0 $0x1BF5;
	p2 =	por !p2, p0  }
0x20: {  	[sflag:s8] =	ssyncset.s32 @!p0 $0xFFFFF086;
	s6 =	sadd.s32 @!p0 s3, s7;
	s7 =	simm.s32 @!p0 $0x108  }
0x21: {  	s3 =	sadd.s32 s3, s9;
	s6 =	sadd.s32 @!p0 $0x88, s6;
	s7 =	simm.s32 @p2 $0x1082  }
0x22: {  	[simem:s7], [sflag:s8] =	dma.local @!p0 [hbm:s6], $0xF7A  }
0x23: {  	s9 =	sor.u32 $0xD0000000, s2;
	s6 =	simm.s32 $0x108;
	_ =	swait.ge @!p0 [sflag:s8], $0x0  }
0x24: {  	s3 =	sadd.s32 $0x88, s3;
	s6 =	simm.s32 @!p1 $0x1082;
	[sflag:s4] =	ssyncset.s32 $0xFFFFF086  }
0x25: {  	[simem:s6], [sflag:s4] =	dma.local [hbm:s3], $0xF7A  }
0x26: {  	[smem:$0x3F99] =	sst s1;
	(tag) =	ssettag s2;
	_ =	strace s9  }
0x27: {  	s1 =	sld [smem:$0x3FA9]  }
0x28: {  	s2 =	sld [smem:$0x3FAA]  }
0x29: {  	s4 =	sld [smem:$0x3FAC]  }
0x2a: {  	p0 =	seq.s32 s5, $0x0;
	s5 =	sld [smem:$0x3FAD]  }
0x2b: {  	s6 =	sld [smem:$0x3FAE]  }
0x2c: {  	s7 =	sld [smem:$0x3FAF]  }
0x2d: {  	s3 =	simm.s32 $0x108;
	s8 =	sld [smem:$0x3FB0]  }
0x2e: {  	s3 =	simm.s32 @!p0 $0x1082;
	s9 =	sld [smem:$0x3FB1]  }
0x2f: {  	lr =	sadd.s32 s0, s3;
	s0 =	sld [smem:$0x3FA8]  }
0x30: {  	s3 =	sld [smem:$0x3FAB]  }
0x31: {  	[smem:$0x3FB4] =	sst s10  }
0x32: {  	s10 =	sld [smem:$0x3FB2];
	_ =	sdelay $0x3  }
0x33: {  	p0 =	seq.s32 s10, $0x1;
	s10 =	sld [smem:$0x3FB4];
	_ =	sdelay $0x3  }
0x34: {  	[smem:$0x3FB4] =	sst s10  }
0x35: {  	s10 =	sld [smem:$0x3FB3];
	_ =	sdelay $0x3  }
0x36: {  	p1 =	seq.s32 s10, $0x1;
	s10 =	sld [smem:$0x3FB4];
	_ =	sdelay $0x3  }
0x37: {  	[smem:$0x3FB4] =	sst s10  }
0x38: {  	s10 =	sld [smem:$0x3FB5]  }
0x39: {  	_ = 	snop;
	(pc) =	sbr.ind lr, $3  }
0x3a: {  	_ = 	snop  }
0x3b: {  	_ = 	snop  }
0x3c: {  	p2 =	seq.s32 s10, $0x1;
	s10 =	sld [smem:$0x3FB4]  }
0x3d: {  	_ =	shalt  }
0x3e: {  	_ =	shalt  }
0x3f: {  	_ =	shalt  }
0x40: {  	_ =	shalt  }
0x41: {  	_ =	shalt  }
0x42: {  	_ =	shalt  }
0x43: {  	_ =	shalt  }
0x44: {  	_ =	shalt  }
0x45: {  	_ =	shalt  }
0x46: {  	_ =	shalt  }
0x47: {  	_ =	shalt  }
0x48: {  	_ =	shalt  }
0x49: {  	_ =	shalt  }
0x4a: {  	_ =	shalt  }
0x4b: {  	_ =	shalt  }
0x4c: {  	_ =	shalt  }
0x4d: {  	_ =	shalt  }
0x4e: {  	_ =	shalt  }
0x4f: {  	_ =	shalt  }
0x50: {  	_ =	shalt  }
0x51: {  	_ =	shalt  }
0x52: {  	_ =	shalt  }
0x53: {  	_ =	shalt  }
0x54: {  	_ =	shalt  }
0x55: {  	_ =	shalt  }
0x56: {  	_ =	shalt  }
0x57: {  	_ =	shalt  }
0x58: {  	_ =	shalt  }
0x59: {  	_ =	shalt  }
0x5a: {  	_ =	shalt  }
0x5b: {  	_ =	shalt  }
0x5c: {  	_ =	shalt  }
0x5d: {  	_ =	shalt  }
0x5e: {  	_ =	shalt  }
0x5f: {  	_ =	shalt  }
0x60: {  	_ =	shalt  }
0x61: {  	_ =	shalt  }
0x62: {  	_ =	shalt  }
0x63: {  	_ =	shalt  }
0x64: {  	_ =	shalt  }
0x65: {  	_ =	shalt  }
0x66: {  	_ =	shalt  }
0x67: {  	_ =	shalt  }
0x68: {  	_ =	shalt  }
0x69: {  	_ =	shalt  }
0x6a: {  	_ =	shalt  }
0x6b: {  	_ =	shalt  }
0x6c: {  	_ =	shalt  }
0x6d: {  	_ =	shalt  }
0x6e: {  	_ =	shalt  }
0x6f: {  	_ =	shalt  }
0x70: {  	_ =	shalt  }
0x71: {  	_ =	shalt  }
0x72: {  	_ =	shalt  }
0x73: {  	_ =	shalt  }
0x74: {  	_ =	shalt  }
0x75: {  	_ =	shalt  }
0x76: {  	_ =	shalt  }
0x77: {  	_ =	shalt  }
0x78: {  	_ =	shalt  }
0x79: {  	_ =	shalt  }
0x7a: {  	_ =	shalt  }
0x7b: {  	_ =	shalt  }
0x7c: {  	_ =	shalt  }
0x7d: {  	_ =	shalt  }
0x7e: {  	_ =	shalt  }
0x7f: {  	_ =	shalt  }
0x80: {  	_ =	shalt  }
0x81: {  	_ =	shalt  }
0x82: {  	_ =	shalt  }
0x83: {  	_ =	shalt  }
0x84: {  	_ =	shalt  }
0x85: {  	_ =	shalt  }
0x86: {  	_ =	shalt  }
0x87: {  	_ =	shalt  }
.Lfunc_end0:
.L_simem_size_0:
called_computation.1_lowered:
.L_overlay_start_0:
0x88: {  	s2 =	sld [smem:$0x3FD9]  }
0x89: {  	s3 =	sld [smem:$0x3FFE];
	_ =	sdelay $0x1  }
0x8a: {  	s1 =	srdreg.scid  }
0x8b: {  	s0 =	sand.u32 $0x1, s1  }
0x8c: {  	s17 =	sshll.u32 s0, $0xA;
	s2 =	sadd.s32 s3, s2  }
0x8d: {  	s2 =	sadd.s32 s2, s17  }
0x8e: {  	[smem:$0x3FC0] =	sst s2  }
0x8f: {  	_ = 	snop  }
0x90: {  	s2 =	sld [smem:$0x3FD0];
	(tm) =	ssettm $0x1  }
0x91: {  	s18 =	sld [smem:$0x3FFB];
	_ =	sdelay $0x3  }
0x92: {  	_ =	strace s18  }
0x93: {  	s3 =	sld [smem:$0x3FFC];
	_ =	sdelay $0x3  }
0x94: {  	_ =	strace s3  }
0x95: {  	s3 =	sld [smem:$0x3FFD];
	_ =	sdelay $0x3  }
0x96: {  	_ =	strace s3  }
0x97: {  	_ =	strace $0x8FFFFFFF  }
0x98: {  	s19 =	sld [smem:$0x3FDB];
	_ =	sdelay $0x1  }
0x99: {  	s4 =	simm.s32 $_scs_section_size  }
0x9a: {  	s5 =	simm.s32 $_size__tile_overlayer_lowered;
	s6 =	simm.s32 $_tile_overlayer_lowered  }
0x9b: {  	s22 =	simm.s32 $0x1BFF;
	s21 =	sshll.u32 s6, $0x1;
	s3 =	sadd.s32 s4, s19  }
0x9c: {  	s7 =	simm.s32 $0x0;
	s20 =	sshll.u32 s5, $0x1;
	s5 =	sadd.s32 s21, s3  }
0x9d: {  	[timem:s7], [sflag:s22] =	dma.local [hbm:s5], s20  }
0x9e: {  	_ =	swait.ge [sflag:s22], s20  }
0x9f: {  	s4 =	ssub.s32 $0x0, s20;
	[sflag:s22] =	ssyncset.done $0x0  }
0xa0: {  	[sflag:s22] =	ssyncadd.s32 s4;
	_ =	sdelay $0x1  }
0xa1: {  	s23 =	simm.s32 $0x1B8B  }
0xa2: {  	_ =	swait.ge [sflag:s23], $0x1  }
0xa3: {  	[sflag:s23] =	ssyncset.done $0x0  }
0xa4: {  	s25 =	simm.s32 $0x1B8E;
	s24 =	sld [smem:$0x3FFE];
	[sflag:s23] =	ssyncadd.s32 $0xFFFFFFFF  }
0xa5: {  	s26 =	simm.s32 $execute0_lowered;
	[smem:$0x3FD2] =	sst s25  }
0xa6: {  	s5 =	sshll.u32 s26, $0x1;
	_ =	strace $0x80000049;
	[dreg:$0x1] =	wrdreg $0xFFFFFFFF  }
0xa7: {  	s28 =	simm.s32 $_size_execute0_lowered;
	s3 =	sadd.s32 s3, s5;
	[dreg:$0x0] =	wrdreg $0x0  }
0xa8: {  	s5 =	sshll.u32 s28, $0x1;
	[dreg:$0x2] =	wrdreg s3  }
0xa9: {  	[dreg:$0x3] =	wrdreg s5  }
0xaa: {  	[dreg:$0x4] =	wrdreg $0xC0  }
0xab: {  	_ =	task [dreg:s7], $0x5FFFF  }
0xac: {  	[dreg:$0x1] =	wrdreg $0xFFFFFFFF  }
0xad: {  	[dreg:$0x0] =	wrdreg $0x60  }
0xae: {  	[dreg:$0x2] =	wrdreg s2  }
0xaf: {  	[dreg:$0x3] =	wrdreg s24  }
0xb0: {  	[dreg:$0x4] =	wrdreg $0xBC000  }
0xb1: {  	[dreg:$0x5] =	wrdreg $0x9  }
0xb2: {  	_ =	task.clear_ibuf [dreg:s7], $0x6FFFF;
	_ =	strace $0x90000049  }
0xb3: {  	s29 =	simm.s32 $0x9;
	_ =	strace $0x8000004B  }
0xb4: {  	_ =	swait.ge [sflag:s29], $0x1  }
0xb5: {  	[sflag:s29] =	ssyncadd.s32 $0xFFFFFFFF  }
0xb6: {  	_ =	strace $0x9000004B  }
0xb7: {  	_ =	sfence  }
0xb8: {  	s30 =	sld [smem:$0x0];
	_ =	sdelay $0x2  }
0xb9: {  	s31 =	sshll.u32 s1, $0xD;
	s1 =	sshrl.u32 s1, $0x2  }
0xba: {  	s3 =	sand.u32 $0x4000, s31;
	s1 =	sadd.s32 s1, s30  }
0xbb: {  	s0 =	sor.u32 s3, s0;
	s1 =	sshll.u32 s1, $0x11  }
0xbc: {  	s0 =	sor.u32 s1, s0  }
0xbd: {  	s0 =	sadd.s32 $0x8F2B, s0  }
0xbe: {  	[sflag:s0] =	ssyncadd.remote.s32 $0x1  }
0xbf: {  	_ =	sfence.sel $0xFFFF  }
0xc0: {  	[dreg:$0x0] =	wrdreg $0xFFFFFFFF;
	(pc) =	sbr.abs _section_cstart, $3  }
0xc1: {  	[dreg:$0x1] =	wrdreg $0xFFFFFFFF  }
0xc2: {  	_ =	task.clear_ibuf [dreg:s7], $0x2FFFF;
	_ =	strace $0x9FFFFFFF  }
0xc3: {  	(tm) =	ssettm $0x7FFFFFFF  }
tec
execute0_lowered:
.L_overlay_start_1:
0x0: {  	(tag) =	ssettag $0x1  }
0x1: {  	s2 =	rddreg [dreg:$0x0]  }
0x2: {  	s5 =	rddreg [dreg:$0x1]  }
0x3: {  	s0 =	srdreg.scid;
	s3 =	rddreg [dreg:$0x2]  }
0x4: {  	s1 =	stileid.u32;
	s4 =	simm.s32 $0x0;
	s15 =	simm.s32 $0x2800  }
0x5: {  	s16 =	simm.s32 $0x7C00;
	s17 =	simm.s32 $0x4;
	s18 =	simm.s32 $0x3  }
0x6: {  	s19 =	simm.s32 $0x80;
	s20 =	simm.s32 $0x3C00;
	s21 =	simm.s32 $0x1  }
0x7: {  	s22 =	simm.s32 $0x2;
	s23 =	simm.s32 $0x3B00;
	s24 =	simm.s32 $0x3B80  }
0x8: {  	s25 =	simm.s32 $0x0;
	s6 =	sand.u32 $0x1, s0;
	s9 =	smul.u32 $0x13C00, s1  }
0x9: {  	s0 =	rddreg [dreg:$0x3];
	s7 =	sshll.u32 s1, $0x1;
	s11 =	smul.u32 $0x4F000, s1  }
0xa: {  	[smem:$0x7FF] =	sst s4;
	s12 =	sadd.s32 $0xBE00, s5;
	s8 =	smul.u32 $0x13C000, s6  }
0xb: {  	s7 =	sor.u32 s6, s7;
	_ =	strace $0x8000004A;
	s29 =	ssub.s32 $0x2, s6  }
0xc: {  	s10 =	smul.u32 $0x500, s7;
	s6 =	sshrl.u32 s29, $0x1;
	s30 =	sshrl.u32 s11, $0x2  }
0xd: {  	s31 =	smul.u32 $0x2800, s7;
	s8 =	sadd.s32 s9, s8;
	s14 =	ssub.s32 s29, s6  }
0xe: {  	s6 =	sadd.s32 s30, s3;
	s28 =	sadd.s32 s10, s5;
	s8 =	sshrl.u32 s8, $0x3  }
0xf: {  	s7 =	sadd.s32 s12, s10;
	s11 =	sshrl.u32 s31, $0x3;
	s9 =	sadd.s32 $0x8000, s6  }
0x10: {  	s10 =	sadd.s32 $0xC000, s6;
	s14 =	smax.u32 s14, $0x1;
	s13 =	sadd.s32 s8, s5  }
0x11: {  	s5 =	sadd.s32 $0x1E00, s28;
	s8 =	sadd.s32 $0x4000, s6;
	s12 =	sadd.s32 s12, s11  }
0x12: {  	v0 =	vimm.f32 $0.0e+00;
	s11 =	sadd.s32 $0x10000, s6;
	s12 =	sadd.s32 $0x280, s12;
	s13 =	sadd.s32 $0x15E00, s13  }
.LBB2_1:
0x13: {  	[tilespmem:s4], [sflag:$0x3] =	stream.linear.gather [hbm4b:s5+s4], $0x2800, $0x38;
	[tilespmem:$0x1F800] =	vst v63  }
0x14: {  	s26 =	simm.s32 $0x0;
	s28 =	simm.s32 $0x200  }
0x15: {  	[tilespmem:s15], [sflag:$0x3] =	stream.linear.gather [hbm4b:s7+s4], $0x1400, $0x38;
	[tilespmem:$0x1F800] =	vst v63  }
.LBB2_2:
0x16: {  	p0 =	sne.s32 s28, $0xFE00;
	[tilespmem:s26+$0x7C70] =	vst v0  }
0x17: {  	[tilespmem:s26+$0x7C00] =	vst v0  }
0x18: {  	[tilespmem:s26+$0x7C10] =	vst v0  }
.Ltmp0:
0x19: {  	[tilespmem:s26+$0x7C20] =	vst v0;
	(pc) =	sbr.rel @p0 .LBB2_2-.Ltmp0, $4  }
0x1a: {  	[tilespmem:s26+$0x7C30] =	vst v0  }
0x1b: {  	[tilespmem:s26+$0x7C40] =	vst v0  }
0x1c: {  	[tilespmem:s26+$0x7C50] =	vst v0  }
0x1d: {  	[tilespmem:s26+$0x7C60] =	vst v0;
	s26 =	sshra.s32 s28, $0x2;
	s28 =	sadd.s32 $0x200, s28  }
0x1e: {  	[tilespmem:s26+$0x7C70] =	vst v0  }
0x1f: {  	[tilespmem:s26+$0x7C00] =	vst v0  }
0x20: {  	[tilespmem:s26+$0x7C10] =	vst v0  }
0x21: {  	[tilespmem:s26+$0x7C20] =	vst v0  }
0x22: {  	[tilespmem:s26+$0x7C30] =	vst v0  }
0x23: {  	[tilespmem:s26+$0x7C40] =	vst v0  }
0x24: {  	[tilespmem:s26+$0x7C50] =	vst v0  }
0x25: {  	[tilespmem:s26+$0x7C60] =	vst v0  }
0x26: {  	[spmem:s6] =	stream.linear.scatter [tilespmem:s16], [sflag:$0x4], $0x4000, $0x38;
	[tilespmem:$0x1F800] =	vst v63  }
0x27: {  	_ =	swait.ge [sflag:s17], $0x4000  }
0x28: {  	[sflag:s17] =	ssyncset.done $0x0  }
0x29: {  	[sflag:s17] =	ssyncadd.s32 $0xFFFFC000  }
0x2a: {  	[spmem:s8] =	stream.linear.scatter [tilespmem:s16], [sflag:$0x4], $0x4000, $0x38;
	[tilespmem:$0x1F800] =	vst v63  }
0x2b: {  	_ =	swait.ge [sflag:s17], $0x4000  }
0x2c: {  	[sflag:s17] =	ssyncset.done $0x0  }
0x2d: {  	[sflag:s17] =	ssyncadd.s32 $0xFFFFC000  }
0x2e: {  	[spmem:s9] =	stream.linear.scatter [tilespmem:s16], [sflag:$0x4], $0x4000, $0x38;
	[tilespmem:$0x1F800] =	vst v63  }
0x2f: {  	_ =	swait.ge [sflag:s17], $0x4000  }
0x30: {  	[sflag:s17] =	ssyncset.done $0x0  }
0x31: {  	[sflag:s17] =	ssyncadd.s32 $0xFFFFC000  }
0x32: {  	[spmem:s10] =	stream.linear.scatter [tilespmem:s16], [sflag:$0x4], $0x4000, $0x38;
	[tilespmem:$0x1F800] =	vst v63  }
0x33: {  	_ =	swait.ge [sflag:s17], $0x4000  }
0x34: {  	[sflag:s17] =	ssyncset.done $0x0  }
0x35: {  	[sflag:s17] =	ssyncadd.s32 $0xFFFFC000  }
0x36: {  	[spmem:s11] =	stream.linear.scatter [tilespmem:s16], [sflag:$0x4], $0x3C00, $0x38;
	[tilespmem:$0x1F800] =	vst v63  }
0x37: {  	_ =	swait.ge [sflag:s17], $0x3C00  }
0x38: {  	[sflag:s17] =	ssyncset.done $0x0  }
0x39: {  	[sflag:s17] =	ssyncadd.s32 $0xFFFFC400  }
0x3a: {  	_ =	swait.ge [sflag:s18], $0x2800  }
0x3b: {  	[sflag:s18] =	ssyncset.done $0x0  }
0x3c: {  	[sflag:s18] =	ssyncadd.s32 $0xFFFFD800  }
0x3d: {  	_ =	swait.ge [sflag:s18], $0x1400  }
0x3e: {  	[sflag:s18] =	ssyncset.done $0x0  }
0x3f: {  	s31 =	simm.s32 $0x0;
	[sflag:s18] =	ssyncadd.s32 $0xFFFFEC00  }
0x40: {  	[tilespmem:s20], [sflag:$0x1] =	stream.indirect.gather [hbm4b:s2+s19], $0x80, s31, s19, $0xb8;
	[tilespmem:$0x1F800] =	vst v63  }
0x41: {  	_ = 	snop  }
0x42: {  	[tilespmem:s16], [sflag:$0x2] =	stream.indirect.gather [hbm4b:s2+s19], $0x80, s19, s19, $0xb8;
	[tilespmem:$0x1F800] =	vst v63  }
0x43: {  	[bflag:$0x0] =	sbarrier.arrive $0xFFFF  }
0x44: {  	_ =	swait.ge [sflag:s21], $0x4000  }
0x45: {  	[sflag:s21] =	ssyncset.done $0x0  }
0x46: {  	s29 =	simm.s32 $0x2800;
	[sflag:s21] =	ssyncadd.s32 $0xFFFFC000  }
0x47: {  	[spmem:s3] =	stream.indirect.scatter.add.f32 [tilespmem:s20], [sflag:$0x4], $0x80, s29, s19, $0xb8;
	[tilespmem:$0x1F800] =	vst v63  }
0x48: {  	_ =	swait.ge [sflag:s17], $0x4000  }
0x49: {  	[sflag:s17] =	ssyncset.done $0x0  }
0x4a: {  	s30 =	simm.s32 $0x100;
	[sflag:s17] =	ssyncadd.s32 $0xFFFFC000  }
0x4b: {  	[tilespmem:s20], [sflag:$0x1] =	stream.indirect.gather [hbm4b:s2+s19], $0x80, s30, s19, $0xb8;
	[tilespmem:$0x1F800] =	vst v63  }
0x4c: {  	_ =	swait.ge [sflag:s22], $0x4000  }
0x4d: {  	[sflag:s22] =	ssyncset.done $0x0  }
0x4e: {  	s31 =	simm.s32 $0x2880;
	[sflag:s22] =	ssyncadd.s32 $0xFFFFC000  }
0x4f: {  	[spmem:s3] =	stream.indirect.scatter.add.f32 [tilespmem:s16], [sflag:$0x4], $0x80, s31, s19, $0xb8;
	[tilespmem:$0x1F800] =	vst v63  }
0x50: {  	_ =	swait.ge [sflag:s17], $0x4000  }
0x51: {  	[sflag:s17] =	ssyncset.done $0x0  }
0x52: {  	s26 =	simm.s32 $0x400;
	s28 =	simm.s32 $0x180;
	[sflag:s17] =	ssyncadd.s32 $0xFFFFC000  }
.LBB2_4:
0x53: {  	[tilespmem:s16], [sflag:$0x2] =	stream.indirect.gather [hbm4b:s2+s19], $0x80, s28, s19, $0xb8;
	[tilespmem:$0x1F800] =	vst v63  }
0x54: {  	s28 =	smov.u32 s26  }
0x55: {  	p0 =	sne.s32 s26, $0x4C00;
	s26 =	sadd.s32 $0x400, s26;
	_ =	swait.ge [sflag:s21], $0x4000  }
0x56: {  	s28 =	sshra.s32 s28, $0x2;
	[sflag:s21] =	ssyncset.done $0x0  }
0x57: {  	s29 =	sadd.s32 $0x2800, s28;
	[sflag:s21] =	ssyncadd.s32 $0xFFFFC000  }
0x58: {  	[spmem:s3] =	stream.indirect.scatter.add.f32 [tilespmem:s20], [sflag:$0x4], $0x80, s29, s19, $0xb8;
	[tilespmem:$0x1F800] =	vst v63  }
0x59: {  	_ =	swait.ge [sflag:s17], $0x4000  }
0x5a: {  	[sflag:s17] =	ssyncset.done $0x0  }
0x5b: {  	s29 =	sadd.s32 $0x100, s28;
	[sflag:s17] =	ssyncadd.s32 $0xFFFFC000  }
0x5c: {  	[tilespmem:s20], [sflag:$0x1] =	stream.indirect.gather [hbm4b:s2+s19], $0x80, s29, s19, $0xb8;
	[tilespmem:$0x1F800] =	vst v63  }
0x5d: {  	_ =	swait.ge [sflag:s22], $0x4000  }
0x5e: {  	[sflag:s22] =	ssyncset.done $0x0  }
.Ltmp1:
0x5f: {  	s29 =	sadd.s32 $0x2880, s28;
	[sflag:s22] =	ssyncadd.s32 $0xFFFFC000;
	(pc) =	sbr.rel @p0 .LBB2_4-.Ltmp1, $4  }
0x60: {  	[spmem:s3] =	stream.indirect.scatter.add.f32 [tilespmem:s16], [sflag:$0x4], $0x80, s29, s19, $0xb8;
	[tilespmem:$0x1F800] =	vst v63  }
0x61: {  	_ =	swait.ge [sflag:s17], $0x4000  }
0x62: {  	[sflag:s17] =	ssyncset.done $0x0  }
0x63: {  	s28 =	sadd.s32 $0x180, s28;
	[sflag:s17] =	ssyncadd.s32 $0xFFFFC000  }
0x64: {  	[tilespmem:s16], [sflag:$0x2] =	stream.indirect.gather [hbm4b:s2+s19], $0x80, s28, s19, $0xb8;
	[tilespmem:$0x1F800] =	vst v63  }
0x65: {  	s26 =	simm.s32 $0x0  }
0x66: {  	[tilespmem:s15], [sflag:$0x4] =	stream.linear.gather [hbm4b:s12+s26], $0x1400, $0x38;
	[tilespmem:$0x1F800] =	vst v63  }
0x67: {  	_ =	swait.ge [sflag:s17], $0x1400  }
0x68: {  	[sflag:s17] =	ssyncset.done $0x0  }
0x69: {  	[sflag:s17] =	ssyncadd.s32 $0xFFFFEC00  }
0x6a: {  	_ =	swait.ge [sflag:s21], $0x4000  }
0x6b: {  	[sflag:s21] =	ssyncset.done $0x0  }
0x6c: {  	s29 =	simm.s32 $0x2800;
	[sflag:s21] =	ssyncadd.s32 $0xFFFFC000  }
0x6d: {  	[spmem:s3] =	stream.indirect.scatter.add.f32 [tilespmem:s20], [sflag:$0x4], $0x80, s29, s19, $0xb8;
	[tilespmem:$0x1F800] =	vst v63  }
0x6e: {  	_ =	swait.ge [sflag:s17], $0x4000  }
0x6f: {  	[sflag:s17] =	ssyncset.done $0x0  }
0x70: {  	s30 =	simm.s32 $0x1500;
	[sflag:s17] =	ssyncadd.s32 $0xFFFFC000  }
0x71: {  	[tilespmem:s20], [sflag:$0x1] =	stream.indirect.gather [hbm4b:s2+s19], $0x80, s30, s19, $0xb8;
	[tilespmem:$0x1F800] =	vst v63  }
0x72: {  	_ =	swait.ge [sflag:s22], $0x4000  }
0x73: {  	[sflag:s22] =	ssyncset.done $0x0  }
0x74: {  	s31 =	simm.s32 $0x2880;
	[sflag:s22] =	ssyncadd.s32 $0xFFFFC000  }
0x75: {  	[spmem:s3] =	stream.indirect.scatter.add.f32 [tilespmem:s16], [sflag:$0x4], $0x80, s31, s19, $0xb8;
	[tilespmem:$0x1F800] =	vst v63  }
0x76: {  	_ =	swait.ge [sflag:s17], $0x4000  }
0x77: {  	[sflag:s17] =	ssyncset.done $0x0  }
0x78: {  	s28 =	simm.s32 $0x1580;
	s26 =	simm.s32 $0x400;
	[sflag:s17] =	ssyncadd.s32 $0xFFFFC000  }
.LBB2_6:
0x79: {  	[tilespmem:s16], [sflag:$0x2] =	stream.indirect.gather [hbm4b:s2+s19], $0x80, s28, s19, $0xb8;
	[tilespmem:$0x1F800] =	vst v63  }
0x7a: {  	s28 =	smov.u32 s26  }
0x7b: {  	p0 =	sne.s32 s26, $0x4800;
	s26 =	sadd.s32 $0x400, s26;
	_ =	swait.ge [sflag:s21], $0x4000  }
0x7c: {  	s28 =	sshra.s32 s28, $0x2;
	[sflag:s21] =	ssyncset.done $0x0  }
0x7d: {  	s29 =	sadd.s32 $0x2800, s28;
	[sflag:s21] =	ssyncadd.s32 $0xFFFFC000  }
0x7e: {  	[spmem:s3] =	stream.indirect.scatter.add.f32 [tilespmem:s20], [sflag:$0x4], $0x80, s29, s19, $0xb8;
	[tilespmem:$0x1F800] =	vst v63  }
0x7f: {  	_ =	swait.ge [sflag:s17], $0x4000  }
0x80: {  	[sflag:s17] =	ssyncset.done $0x0  }
0x81: {  	s29 =	sadd.s32 $0x1500, s28;
	[sflag:s17] =	ssyncadd.s32 $0xFFFFC000  }
0x82: {  	[tilespmem:s20], [sflag:$0x1] =	stream.indirect.gather [hbm4b:s2+s19], $0x80, s29, s19, $0xb8;
	[tilespmem:$0x1F800] =	vst v63  }
0x83: {  	_ =	swait.ge [sflag:s22], $0x4000  }
0x84: {  	[sflag:s22] =	ssyncset.done $0x0  }
.Ltmp2:
0x85: {  	s29 =	sadd.s32 $0x2880, s28;
	[sflag:s22] =	ssyncadd.s32 $0xFFFFC000;
	(pc) =	sbr.rel @p0 .LBB2_6-.Ltmp2, $4  }
0x86: {  	[spmem:s3] =	stream.indirect.scatter.add.f32 [tilespmem:s16], [sflag:$0x4], $0x80, s29, s19, $0xb8;
	[tilespmem:$0x1F800] =	vst v63  }
0x87: {  	_ =	swait.ge [sflag:s17], $0x4000  }
0x88: {  	[sflag:s17] =	ssyncset.done $0x0  }
0x89: {  	s28 =	sadd.s32 $0x1580, s28;
	[sflag:s17] =	ssyncadd.s32 $0xFFFFC000  }
0x8a: {  	[tilespmem:s16], [sflag:$0x2] =	stream.indirect.gather [hbm4b:s2+s19], $0x80, s28, s19, $0xb8;
	[tilespmem:$0x1F800] =	vst v63  }
0x8b: {  	_ =	swait.ge [sflag:s21], $0x4000  }
0x8c: {  	[sflag:s21] =	ssyncset.done $0x0  }
0x8d: {  	[sflag:s21] =	ssyncadd.s32 $0xFFFFC000  }
0x8e: {  	[spmem:s3] =	stream.indirect.scatter.add.f32 [tilespmem:s20], [sflag:$0x4], $0x80, s23, s19, $0xb8;
	[tilespmem:$0x1F800] =	vst v63  }
0x8f: {  	_ =	swait.ge [sflag:s17], $0x4000  }
0x90: {  	[sflag:s17] =	ssyncset.done $0x0  }
0x91: {  	[sflag:s17] =	ssyncadd.s32 $0xFFFFC000  }
0x92: {  	_ =	swait.ge [sflag:s22], $0x4000  }
0x93: {  	[sflag:s22] =	ssyncset.done $0x0  }
0x94: {  	[sflag:s22] =	ssyncadd.s32 $0xFFFFC000  }
0x95: {  	[spmem:s3] =	stream.indirect.scatter.add.f32 [tilespmem:s16], [sflag:$0x4], $0x80, s24, s19, $0xb8;
	[tilespmem:$0x1F800] =	vst v63  }
0x96: {  	_ =	swait.ge [sflag:s17], $0x4000  }
0x97: {  	s26 =	sshll.u32 s1, $0x6;
	s25 =	sadd.s32 $0x1, s25;
	[sflag:s17] =	ssyncset.done $0x0  }
0x98: {  	s31 =	sshrl.u32 s6, $0x3;
	p0 =	sne.s32 s25, s14;
	[sflag:s17] =	ssyncadd.s32 $0xFFFFC000  }
.Ltmp3:
0x99: {  	s26 =	sor.u32 $0x1C04, s26;
	[bflag:$0x0] =	sbarrier.arrive $0xFFFF;
	(pc) =	sbr.rel @p0 .LBB2_1-.Ltmp3, $4  }
0x9a: {  	[hbm:s13], [sflag:s26] =	dma.local [spmem:s31], $0x2780  }
0x9b: {  	_ =	swait.ge [sflag:s17], $0x2780  }
0x9c: {  	[sflag:s17] =	ssyncset.done $0x0  }
0x9d: {  	[sflag:s17] =	ssyncadd.s32 $0xFFFFD880  }
0x9e: {  	_ =	sfence.sel $0x180000  }
0x9f: {  	[bflag:$0x0] =	sbarrier.arrive $0xFFFF  }
0xa0: {  	p0 =	sne.s32 s1, $0x0;
	_ =	strace $0x9000004A  }
0xa1: {  	s0 =	sadd.s32 @!p0 $0x100000, s0;
	[bflag:$0x2] =	sbarrier.arrive $0xFFFF  }
0xa2: {  	[sflag:s0] =	ssyncadd.tile.s32 @!p0 $0x1;
	_ =	shalt  }
.Lfunc_end2:
_tile_overlayer_lowered:
.L_overlay_start_2:
0xa3: {  	(tag) =	ssettag $0x2  }
0xa4: {  	s0 =	rddreg [dreg:$0x0];
	s2 =	stileid.u32  }
0xa5: {  	s1 =	rddreg [dreg:$0x1];
	p0 =	sne.s32 s2, $0x0  }
0xa6: {  	s3 =	rddreg [dreg:$0x2];
	[bflag:$0x3] =	sbarrier.arrive $0xFFFF;
	s2 =	simm.s32 @!p0 $0x1C04  }
0xa7: {  	[timem:s3], [sflag:s2] =	dma.local @!p0 [hbm:s0], s1  }
0xa8: {  	s0 =	simm.s32 @!p0 $0x4  }
0xa9: {  	_ =	swait.ge @!p0 [sflag:s0], s1  }
0xaa: {  	s1 =	ssub.s32 @!p0 $0x0, s1;
	[sflag:s0] =	ssyncset.done @!p0 $0x0  }
0xab: {  	[sflag:s0] =	ssyncadd.s32 @!p0 s1  }
0xac: {  	[bflag:$0x3] =	sbarrier.arrive $0xFFFF  }
0xad: {  	_ =	shalt  }

</sc_bundles>
